<compile_context>
chip_gen: v7x
topology: tpu7x:2x2x1
jax: 0.10.2.dev20260603
libtpu: 0.0.44.dev20260713+nightly
codegen_flags: <defaults>
</compile_context>

<pallas_src>
import functools

import jax
import jax.numpy as jnp
from jax import lax
from jax.experimental import pallas as pl
from jax.experimental.pallas import tpu as pltpu
from jax.experimental.pallas import tpu_sc as plsc

N_NODES = 10000
N_EDGES = 320000
D = 128

NC, NS = 2, 16
NW = NC * NS
CH = 80
EPT = N_EDGES // NW
NCHUNK = EPT // CH
NBINS = 10240
BPT = NBINS // NS
NPAD = 10240
RPT = NPAD // NS
ZCH = 80

_f32 = jnp.float32

_mesh = plsc.VectorSubcoreMesh(core_axis_name="c", subcore_axis_name="s")


@functools.partial(
    pl.kernel,
    out_type=jax.ShapeDtypeStruct((NC, NBINS), _f32),
    mesh=_mesh,
    scratch_types=[
        pltpu.VMEM((EPT,), jnp.int32),
        pltpu.VMEM((128,), _f32),
        pltpu.VMEM((BPT,), _f32),
        pltpu.VMEM_SHARED((NBINS,), _f32),
    ],
)
def _deg_call(dst1, degp, idxv, ones_v, buf, deg_sh):
    c = lax.axis_index("c")
    s = lax.axis_index("s")
    w = c * NS + s

    for i in range(8):
        ones_v[pl.ds(i * 16, 16)] = jnp.ones((16,), _f32)

    def _z(i, _):
        buf[pl.ds(i * 16, 16)] = jnp.zeros((16,), _f32)
        return 0

    lax.fori_loop(0, BPT // 16, _z, 0)
    pltpu.sync_copy(buf, deg_sh.at[pl.ds(s * BPT, BPT)])
    plsc.subcore_barrier()

    pltpu.sync_copy(dst1.at[pl.ds(w * EPT, EPT)], idxv)

    def _scatter(j, _):
        pltpu.sync_copy(ones_v.at[pl.ds(0, CH)],
                        deg_sh.at[idxv.at[pl.ds(j * CH, CH)]], add=True)
        return 0

    lax.fori_loop(0, NCHUNK, _scatter, 0)
    plsc.subcore_barrier()

    pltpu.sync_copy(deg_sh.at[pl.ds(s * BPT, BPT)], buf)
    pltpu.sync_copy(buf, degp.at[c, pl.ds(s * BPT, BPT)])


@functools.partial(
    pl.kernel,
    out_type=jax.ShapeDtypeStruct((NC, NPAD, D), _f32),
    mesh=_mesh,
    scratch_types=[
        pltpu.VMEM((EPT,), jnp.int32),
        pltpu.VMEM((EPT,), jnp.int32),
        pltpu.VMEM((CH, D), _f32),
        pltpu.VMEM((CH, D), _f32),
        pltpu.VMEM_SHARED((NPAD, D), _f32),
        pltpu.SemaphoreType.DMA,
        pltpu.SemaphoreType.DMA,
    ],
)
def _agg_call(y_hbm, src1, dst1, acc_out, sidx, didx, rows, rows_b, acc_sh,
              sem_a, sem_b):
    c = lax.axis_index("c")
    s = lax.axis_index("s")
    w = c * NS + s

    def _zrow(i, _):
        def _zlane(j, _):
            rows[i, pl.ds(j * 16, 16)] = jnp.zeros((16,), _f32)
            return 0
        lax.fori_loop(0, D // 16, _zlane, 0)
        return 0

    lax.fori_loop(0, CH, _zrow, 0)
    for t in range(RPT // ZCH):
        pltpu.async_copy(rows, acc_sh.at[pl.ds(s * RPT + t * ZCH, ZCH)],
                         sem_a)
    pltpu.async_copy(src1.at[pl.ds(w * EPT, EPT)], sidx, sem_b)
    pltpu.sync_copy(dst1.at[pl.ds(w * EPT, EPT)], didx)
    pltpu.make_async_copy(src1.at[pl.ds(w * EPT, EPT)], sidx, sem_b).wait()
    for t in range(RPT // ZCH):
        pltpu.make_async_copy(rows, acc_sh.at[pl.ds(s * RPT + t * ZCH, ZCH)],
                              sem_a).wait()
    plsc.subcore_barrier()

    ra = rows
    pltpu.async_copy(y_hbm.at[sidx.at[pl.ds(0, CH)]], ra, sem_a)

    def _pair(i, _):
        pltpu.async_copy(y_hbm.at[sidx.at[pl.ds((2 * i + 1) * CH, CH)]],
                         rows_b, sem_b)
        pltpu.make_async_copy(y_hbm.at[sidx.at[pl.ds((2 * i) * CH, CH)]],
                              ra, sem_a).wait()
        pltpu.sync_copy(ra, acc_sh.at[didx.at[pl.ds((2 * i) * CH, CH)]],
                        add=True)
        pltpu.async_copy(y_hbm.at[sidx.at[pl.ds((2 * i + 2) * CH, CH)]],
                         ra, sem_a)
        pltpu.make_async_copy(y_hbm.at[sidx.at[pl.ds((2 * i + 1) * CH, CH)]],
                              rows_b, sem_b).wait()
        pltpu.sync_copy(rows_b,
                        acc_sh.at[didx.at[pl.ds((2 * i + 1) * CH, CH)]],
                        add=True)
        return 0

    lax.fori_loop(0, (NCHUNK - 3) // 2, _pair, 0)
    pltpu.async_copy(y_hbm.at[sidx.at[pl.ds((NCHUNK - 2) * CH, CH)]],
                     rows_b, sem_b)
    pltpu.make_async_copy(y_hbm.at[sidx.at[pl.ds((NCHUNK - 3) * CH, CH)]],
                          ra, sem_a).wait()
    pltpu.sync_copy(ra, acc_sh.at[didx.at[pl.ds((NCHUNK - 3) * CH, CH)]],
                    add=True)
    pltpu.async_copy(y_hbm.at[sidx.at[pl.ds((NCHUNK - 1) * CH, CH)]],
                     ra, sem_a)
    pltpu.make_async_copy(y_hbm.at[sidx.at[pl.ds((NCHUNK - 2) * CH, CH)]],
                          rows_b, sem_b).wait()
    pltpu.sync_copy(rows_b,
                    acc_sh.at[didx.at[pl.ds((NCHUNK - 2) * CH, CH)]],
                    add=True)
    pltpu.make_async_copy(y_hbm.at[sidx.at[pl.ds((NCHUNK - 1) * CH, CH)]],
                          ra, sem_a).wait()
    pltpu.sync_copy(ra, acc_sh.at[didx.at[pl.ds((NCHUNK - 1) * CH, CH)]],
                    add=True)
    plsc.subcore_barrier()

    bufs = (rows, rows_b)
    nt = RPT // ZCH
    pltpu.async_copy(acc_sh.at[pl.ds(s * RPT, ZCH)], bufs[0], sem_b)
    for t in range(nt):
        buf = bufs[t & 1]
        if t >= 2:
            pltpu.make_async_copy(
                buf, acc_out.at[c, pl.ds(s * RPT + (t - 2) * ZCH, ZCH)],
                sem_a).wait()
        if t + 1 < nt:
            pltpu.async_copy(
                acc_sh.at[pl.ds(s * RPT + (t + 1) * ZCH, ZCH)],
                bufs[(t + 1) & 1], sem_b)
        pltpu.make_async_copy(acc_sh.at[pl.ds(s * RPT + t * ZCH, ZCH)], buf,
                              sem_b).wait()
        pltpu.async_copy(buf, acc_out.at[c, pl.ds(s * RPT + t * ZCH, ZCH)],
                         sem_a)
    for t in (nt - 2, nt - 1):
        pltpu.make_async_copy(
            bufs[t & 1], acc_out.at[c, pl.ds(s * RPT + t * ZCH, ZCH)],
            sem_a).wait()


def _split_row(r):
    def body(ei_ref, o_ref):
        o_ref[...] = ei_ref[r, :]
    return body


def _split_call(ei, r):
    return pl.pallas_call(
        _split_row(r),
        out_shape=jax.ShapeDtypeStruct((N_EDGES,), jnp.int32),
    )(ei)


def _scale_body(deg_ref, x_ref, y_ref, d_ref):
    dsum = deg_ref[0, :] + deg_ref[1, :] + 1.0
    dlane = lax.rsqrt(dsum).reshape(1, NBINS)
    dsub = jnp.transpose(dlane)[:N_NODES]
    y_ref[...] = x_ref[...] * dsub
    d_ref[...] = jnp.broadcast_to(dsub, (N_NODES, 8))


_R = 1000


def _scale_call(degp, x):
    return pl.pallas_call(
        _scale_body,
        out_shape=[
            jax.ShapeDtypeStruct((N_NODES, D), _f32),
            jax.ShapeDtypeStruct((N_NODES, 8), _f32),
        ],
        grid=(1,),
        in_specs=[
            pl.BlockSpec((NC, NBINS), lambda i: (0, 0)),
            pl.BlockSpec((N_NODES, D), lambda i: (0, 0)),
        ],
        out_specs=[
            pl.BlockSpec((N_NODES, D), lambda i: (0, 0)),
            pl.BlockSpec((N_NODES, 8), lambda i: (0, 0)),
        ],
    )(degp, x)


def _final_body(d_ref, acc_ref, y_ref, w_ref, b_ref, a_ref, o_ref):
    d = d_ref[:, 0:1]
    sfull = (acc_ref[0] + acc_ref[1] + y_ref[...]) * d
    z = jnp.dot(sfull, w_ref[...], preferred_element_type=_f32) + b_ref[...]
    o_ref[...] = jnp.where(z >= 0, z, a_ref[...] * z)


def _final_call(dcol, acc, y, W, b2, a2):
    return pl.pallas_call(
        _final_body,
        out_shape=jax.ShapeDtypeStruct((N_NODES, D), _f32),
        grid=(N_NODES // _R,),
        in_specs=[
            pl.BlockSpec((_R, 8), lambda i: (i, 0)),
            pl.BlockSpec((NC, _R, D), lambda i: (0, i, 0)),
            pl.BlockSpec((_R, D), lambda i: (i, 0)),
            pl.BlockSpec((D, D), lambda i: (0, 0)),
            pl.BlockSpec((1, D), lambda i: (0, 0)),
            pl.BlockSpec((1, D), lambda i: (0, 0)),
        ],
        out_specs=pl.BlockSpec((_R, D), lambda i: (i, 0)),
    )(dcol, acc, y, W, b2, a2)


def kernel(x, edge_index, W, b, alpha):
    ei = edge_index.astype(jnp.int32)
    dst1 = _split_call(ei, 1)
    src1 = _split_call(ei, 0)

    degp = _deg_call(dst1)
    y, dcol = _scale_call(degp, x)
    acc = _agg_call(y, src1, dst1)
    out = _final_call(dcol, acc, y, W,
                      b.reshape(1, D), alpha.reshape(1, D))
    return out

# --- scband reference (transcript-rebuilt; emitter-appended) ---
"""Pipeline reference for scband-gcn-25872882991698 (READ-ONLY COPY).

The authoritative reference and input builder live on the scoring server;
editing this copy changes nothing except your own understanding.
"""

import jax, jax.numpy as jnp
import numpy as np

N_NODES = 10000
N_EDGES = 320000
D_IN = 128
D_OUT = 128


def setup_inputs(seed: int = 0) -> dict:
    key = jax.random.key(seed)
    k1, k2, k3 = jax.random.split(key, 3)
    x = jax.random.normal(k1, (N_NODES, D_IN), dtype=jnp.float32)
    edge_index = jax.random.randint(k2, (2, N_EDGES), 0, N_NODES, dtype=jnp.int64)
    # GCNConv linear weight, xavier_normal init; stored as [D_IN, D_OUT] for x @ W
    std = float(np.sqrt(2.0 / (D_IN + D_OUT)))
    W = jax.random.normal(k3, (D_IN, D_OUT), dtype=jnp.float32) * std
    b = jnp.zeros((D_OUT,), dtype=jnp.float32)  # constant-0 init
    alpha = jnp.full((D_OUT,), 0.25, dtype=jnp.float32)  # PReLU per-channel weight
    return {"x": x, "edge_index": edge_index, "W": W, "b": b, "alpha": alpha}


def reference(x, edge_index, W, b, alpha):
    N = x.shape[0]
    # GCNConv with add_self_loops=True, normalize=True
    loop = jnp.arange(N, dtype=edge_index.dtype)
    src = jnp.concatenate([edge_index[0], loop])
    dst = jnp.concatenate([edge_index[1], loop])
    ew = jnp.ones(src.shape[0], dtype=x.dtype)
    deg = jnp.zeros((N,), dtype=x.dtype).at[dst].add(ew)
    deg_inv_sqrt = jnp.where(deg > 0, deg ** -0.5, 0.0)
    norm = deg_inv_sqrt[src] * deg_inv_sqrt[dst]
    # linear transform then propagate
    h = x @ W
    msg = jnp.take(h, src, axis=0) * norm[:, None]
    out = jnp.zeros((N, h.shape[1]), dtype=x.dtype).at[dst].add(msg)
    out = out + b
    # PReLU
    z = jnp.where(out >= 0, out, alpha * out)
    return z

if __name__ == "__main__":
    import jax
    _d = setup_inputs()
    print(jax.jit(kernel)(*tuple(_d.values())))

</pallas_src>

<mosaic_0001>
#map = affine_map<(d0, d1) -> (0, 0)>
#map1 = affine_map<(d0, d1) -> (0)>
#map2 = affine_map<(d0, d1) -> (0, 0, 0)>
module attributes {stable_mosaic.version = 14 : i64} {
  func.func @_agg_call(%arg0: i32, %arg1: i32, %arg2: memref<10000x128xf32, #tpu.memory_space<hbm>>, %arg3: memref<320000xi32, #tpu.memory_space<hbm>>, %arg4: memref<320000xi32, #tpu.memory_space<hbm>>, %arg5: memref<2x10240x128xf32, #tpu.memory_space<hbm>>, %arg6: memref<10000xi32, #tpu.memory_space<vmem>>, %arg7: memref<10000xi32, #tpu.memory_space<vmem>>, %arg8: memref<80x128xf32, #tpu.memory_space<vmem>>, %arg9: memref<80x128xf32, #tpu.memory_space<vmem>>, %arg10: memref<10240x128xf32, #tpu.memory_space<vmem_shared>>, %arg11: memref<!tpu.dma_semaphore, #tpu.memory_space<semaphore_mem>>, %arg12: memref<!tpu.dma_semaphore, #tpu.memory_space<semaphore_mem>>) attributes {dimension_semantics = [#tpu.dimension_semantics<core_parallel>, #tpu.dimension_semantics<subcore_parallel>], iteration_bounds = array<i64: 2, 16>, scalar_prefetch = 0 : i64, scratch_operands = 7 : i64, tpu.core_type = #tpu.core_type<sc_vector_subcore>, window_params = [{transform_indices = #map}, {transform_indices = #map1}, {transform_indices = #map1}, {transform_indices = #map2}]} {
    %mul3A = arith.constant 16 : i32
    %mul3A_0 = arith.muli %arg0, %mul3A : i32
    %add3A = arith.addi %mul3A_0, %arg1 : i32
    %scan3A = arith.constant 0 : i32
    %scan3A_1 = arith.constant 0 : i32
    %scan3A_2 = arith.constant 80 : i32
    %scan3A_3 = arith.addi %scan3A_1, %scan3A_2 : i32
    %scan3A_4 = arith.constant 1 : i32
    %scan3A_5 = scf.for %scan3A_467 = %scan3A_1 to %scan3A_3 step %scan3A_4 iter_args(%scan3A_468 = %scan3A) -> (i32)  : i32 {
      %scan3A_469 = arith.constant 0 : i32
      %scan3A_470 = arith.constant 0 : i32
      %scan3A_471 = arith.constant 8 : i32
      %scan3A_472 = arith.addi %scan3A_470, %scan3A_471 : i32
      %scan3A_473 = arith.constant 1 : i32
      %scan3A_474 = scf.for %scan3A_477 = %scan3A_470 to %scan3A_472 step %scan3A_473 iter_args(%scan3A_478 = %scan3A_469) -> (i32)  : i32 {
        %broadcast_in_dim3A = arith.constant 0.000000e+00 : f32
        %broadcast_in_dim3A_479 = vector.broadcast %broadcast_in_dim3A : f32 to vector<16xf32>
        %mul3A_480 = arith.constant 16 : i32
        %mul3A_481 = arith.muli %scan3A_477, %mul3A_480 : i32
        %swap3A = arith.index_cast %scan3A_467 : i32 to index
        %swap3A_482 = arith.index_cast %mul3A_481 : i32 to index
        %swap3A_483 = tpu.vector_load %arg8[%swap3A, %swap3A_482] {strides = array<i32>} : memref<80x128xf32, #tpu.memory_space<vmem>>, vector<1x16xf32>,
        %swap3A_484 = vector.shape_cast %swap3A_483 : vector<1x16xf32> to vector<16xf32>
        %swap3A_485 = vector.shape_cast %broadcast_in_dim3A_479 : vector<16xf32> to vector<1x16xf32>
        tpu.vector_store %arg8[%swap3A, %swap3A_482], %swap3A_485 {strides = array<i32>} : memref<80x128xf32, #tpu.memory_space<vmem>>, vector<1x16xf32>,
        %scan3A_486 = arith.constant 0 : i32
        scf.yield %scan3A_486 : i32
      }
      %scan3A_475 = arith.constant 8 : i32
      %scan3A_476 = arith.constant 0 : i32
      scf.yield %scan3A_476 : i32
    }
    %scan3A_6 = arith.constant 80 : i32
    %mul3A_7 = arith.constant 640 : i32
    %mul3A_8 = arith.muli %arg1, %mul3A_7 : i32
    %add3A_9 = arith.constant 0 : i32
    %add3A_10 = arith.addi %mul3A_8, %add3A_9 : i32
    %dma_start3A = arith.constant 0 : i32
    %dma_start3A_11 = tpu.memref_slice %arg10[%add3A_10, %dma_start3A] : memref<10240x128xf32, #tpu.memory_space<vmem_shared>> -> memref<80x128xf32, #tpu.memory_space<vmem_shared>>
    %dma_start3A_12 = arith.constant 0 : i32
    %dma_start3A_13 = tpu.memref_slice %arg10[%add3A_10, %dma_start3A_12] : memref<10240x128xf32, #tpu.memory_space<vmem_shared>> -> memref<80x128xf32, #tpu.memory_space<vmem_shared>>
    tpu.enqueue_dma source(%arg8 : memref<80x128xf32, #tpu.memory_space<vmem>>) target(%dma_start3A_13 : memref<80x128xf32, #tpu.memory_space<vmem_shared>>) target_semaphore(%arg11 : memref<!tpu.dma_semaphore, #tpu.memory_space<semaphore_mem>>)
    %mul3A_14 = arith.constant 640 : i32
    %mul3A_15 = arith.muli %arg1, %mul3A_14 : i32
    %add3A_16 = arith.constant 80 : i32
    %add3A_17 = arith.addi %mul3A_15, %add3A_16 : i32
    %dma_start3A_18 = arith.constant 0 : i32
    %dma_start3A_19 = tpu.memref_slice %arg10[%add3A_17, %dma_start3A_18] : memref<10240x128xf32, #tpu.memory_space<vmem_shared>> -> memref<80x128xf32, #tpu.memory_space<vmem_shared>>
    %dma_start3A_20 = arith.constant 0 : i32
    %dma_start3A_21 = tpu.memref_slice %arg10[%add3A_17, %dma_start3A_20] : memref<10240x128xf32, #tpu.memory_space<vmem_shared>> -> memref<80x128xf32, #tpu.memory_space<vmem_shared>>
    tpu.enqueue_dma source(%arg8 : memref<80x128xf32, #tpu.memory_space<vmem>>) target(%dma_start3A_21 : memref<80x128xf32, #tpu.memory_space<vmem_shared>>) target_semaphore(%arg11 : memref<!tpu.dma_semaphore, #tpu.memory_space<semaphore_mem>>)
    %mul3A_22 = arith.constant 640 : i32
    %mul3A_23 = arith.muli %arg1, %mul3A_22 : i32
    %add3A_24 = arith.constant 160 : i32
    %add3A_25 = arith.addi %mul3A_23, %add3A_24 : i32
    %dma_start3A_26 = arith.constant 0 : i32
    %dma_start3A_27 = tpu.memref_slice %arg10[%add3A_25, %dma_start3A_26] : memref<10240x128xf32, #tpu.memory_space<vmem_shared>> -> memref<80x128xf32, #tpu.memory_space<vmem_shared>>
    %dma_start3A_28 = arith.constant 0 : i32
    %dma_start3A_29 = tpu.memref_slice %arg10[%add3A_25, %dma_start3A_28] : memref<10240x128xf32, #tpu.memory_space<vmem_shared>> -> memref<80x128xf32, #tpu.memory_space<vmem_shared>>
    tpu.enqueue_dma source(%arg8 : memref<80x128xf32, #tpu.memory_space<vmem>>) target(%dma_start3A_29 : memref<80x128xf32, #tpu.memory_space<vmem_shared>>) target_semaphore(%arg11 : memref<!tpu.dma_semaphore, #tpu.memory_space<semaphore_mem>>)
    %mul3A_30 = arith.constant 640 : i32
    %mul3A_31 = arith.muli %arg1, %mul3A_30 : i32
    %add3A_32 = arith.constant 240 : i32
    %add3A_33 = arith.addi %mul3A_31, %add3A_32 : i32
    %dma_start3A_34 = arith.constant 0 : i32
    %dma_start3A_35 = tpu.memref_slice %arg10[%add3A_33, %dma_start3A_34] : memref<10240x128xf32, #tpu.memory_space<vmem_shared>> -> memref<80x128xf32, #tpu.memory_space<vmem_shared>>
    %dma_start3A_36 = arith.constant 0 : i32
    %dma_start3A_37 = tpu.memref_slice %arg10[%add3A_33, %dma_start3A_36] : memref<10240x128xf32, #tpu.memory_space<vmem_shared>> -> memref<80x128xf32, #tpu.memory_space<vmem_shared>>
    tpu.enqueue_dma source(%arg8 : memref<80x128xf32, #tpu.memory_space<vmem>>) target(%dma_start3A_37 : memref<80x128xf32, #tpu.memory_space<vmem_shared>>) target_semaphore(%arg11 : memref<!tpu.dma_semaphore, #tpu.memory_space<semaphore_mem>>)
    %mul3A_38 = arith.constant 640 : i32
    %mul3A_39 = arith.muli %arg1, %mul3A_38 : i32
    %add3A_40 = arith.constant 320 : i32
    %add3A_41 = arith.addi %mul3A_39, %add3A_40 : i32
    %dma_start3A_42 = arith.constant 0 : i32
    %dma_start3A_43 = tpu.memref_slice %arg10[%add3A_41, %dma_start3A_42] : memref<10240x128xf32, #tpu.memory_space<vmem_shared>> -> memref<80x128xf32, #tpu.memory_space<vmem_shared>>
    %dma_start3A_44 = arith.constant 0 : i32
    %dma_start3A_45 = tpu.memref_slice %arg10[%add3A_41, %dma_start3A_44] : memref<10240x128xf32, #tpu.memory_space<vmem_shared>> -> memref<80x128xf32, #tpu.memory_space<vmem_shared>>
    tpu.enqueue_dma source(%arg8 : memref<80x128xf32, #tpu.memory_space<vmem>>) target(%dma_start3A_45 : memref<80x128xf32, #tpu.memory_space<vmem_shared>>) target_semaphore(%arg11 : memref<!tpu.dma_semaphore, #tpu.memory_space<semaphore_mem>>)
    %mul3A_46 = arith.constant 640 : i32
    %mul3A_47 = arith.muli %arg1, %mul3A_46 : i32
    %add3A_48 = arith.constant 400 : i32
    %add3A_49 = arith.addi %mul3A_47, %add3A_48 : i32
    %dma_start3A_50 = arith.constant 0 : i32
    %dma_start3A_51 = tpu.memref_slice %arg10[%add3A_49, %dma_start3A_50] : memref<10240x128xf32, #tpu.memory_space<vmem_shared>> -> memref<80x128xf32, #tpu.memory_space<vmem_shared>>
    %dma_start3A_52 = arith.constant 0 : i32
    %dma_start3A_53 = tpu.memref_slice %arg10[%add3A_49, %dma_start3A_52] : memref<10240x128xf32, #tpu.memory_space<vmem_shared>> -> memref<80x128xf32, #tpu.memory_space<vmem_shared>>
    tpu.enqueue_dma source(%arg8 : memref<80x128xf32, #tpu.memory_space<vmem>>) target(%dma_start3A_53 : memref<80x128xf32, #tpu.memory_space<vmem_shared>>) target_semaphore(%arg11 : memref<!tpu.dma_semaphore, #tpu.memory_space<semaphore_mem>>)
    %mul3A_54 = arith.constant 640 : i32
    %mul3A_55 = arith.muli %arg1, %mul3A_54 : i32
    %add3A_56 = arith.constant 480 : i32
    %add3A_57 = arith.addi %mul3A_55, %add3A_56 : i32
    %dma_start3A_58 = arith.constant 0 : i32
    %dma_start3A_59 = tpu.memref_slice %arg10[%add3A_57, %dma_start3A_58] : memref<10240x128xf32, #tpu.memory_space<vmem_shared>> -> memref<80x128xf32, #tpu.memory_space<vmem_shared>>
    %dma_start3A_60 = arith.constant 0 : i32
    %dma_start3A_61 = tpu.memref_slice %arg10[%add3A_57, %dma_start3A_60] : memref<10240x128xf32, #tpu.memory_space<vmem_shared>> -> memref<80x128xf32, #tpu.memory_space<vmem_shared>>
    tpu.enqueue_dma source(%arg8 : memref<80x128xf32, #tpu.memory_space<vmem>>) target(%dma_start3A_61 : memref<80x128xf32, #tpu.memory_space<vmem_shared>>) target_semaphore(%arg11 : memref<!tpu.dma_semaphore, #tpu.memory_space<semaphore_mem>>)
    %mul3A_62 = arith.constant 640 : i32
    %mul3A_63 = arith.muli %arg1, %mul3A_62 : i32
    %add3A_64 = arith.constant 560 : i32
    %add3A_65 = arith.addi %mul3A_63, %add3A_64 : i32
    %dma_start3A_66 = arith.constant 0 : i32
    %dma_start3A_67 = tpu.memref_slice %arg10[%add3A_65, %dma_start3A_66] : memref<10240x128xf32, #tpu.memory_space<vmem_shared>> -> memref<80x128xf32, #tpu.memory_space<vmem_shared>>
    %dma_start3A_68 = arith.constant 0 : i32
    %dma_start3A_69 = tpu.memref_slice %arg10[%add3A_65, %dma_start3A_68] : memref<10240x128xf32, #tpu.memory_space<vmem_shared>> -> memref<80x128xf32, #tpu.memory_space<vmem_shared>>
    tpu.enqueue_dma source(%arg8 : memref<80x128xf32, #tpu.memory_space<vmem>>) target(%dma_start3A_69 : memref<80x128xf32, #tpu.memory_space<vmem_shared>>) target_semaphore(%arg11 : memref<!tpu.dma_semaphore, #tpu.memory_space<semaphore_mem>>)
    %mul3A_70 = arith.constant 10000 : i32
    %mul3A_71 = arith.muli %add3A, %mul3A_70 : i32
    %dma_start3A_72 = tpu.memref_slice %arg3[%mul3A_71] : memref<320000xi32, #tpu.memory_space<hbm>> -> memref<10000xi32, #tpu.memory_space<hbm>>
    %dma_start3A_73 = tpu.memref_slice %arg3[%mul3A_71] : memref<320000xi32, #tpu.memory_space<hbm>> -> memref<10000xi32, #tpu.memory_space<hbm>>
    tpu.enqueue_dma source(%dma_start3A_73 : memref<10000xi32, #tpu.memory_space<hbm>>) target(%arg6 : memref<10000xi32, #tpu.memory_space<vmem>>) target_semaphore(%arg12 : memref<!tpu.dma_semaphore, #tpu.memory_space<semaphore_mem>>)
    %mul3A_74 = arith.constant 10000 : i32
    %mul3A_75 = arith.muli %add3A, %mul3A_74 : i32
    "tpu.region"() ({
      %run_scoped3A = tpu.sem_alloc : memref<!tpu.dma_semaphore, #tpu.memory_space<semaphore_mem>>
      %dma_start3A_467 = tpu.memref_slice %arg4[%mul3A_75] : memref<320000xi32, #tpu.memory_space<hbm>> -> memref<10000xi32, #tpu.memory_space<hbm>>
      %dma_start3A_468 = tpu.memref_slice %arg4[%mul3A_75] : memref<320000xi32, #tpu.memory_space<hbm>> -> memref<10000xi32, #tpu.memory_space<hbm>>
      tpu.enqueue_dma source(%dma_start3A_468 : memref<10000xi32, #tpu.memory_space<hbm>>) target(%arg7 : memref<10000xi32, #tpu.memory_space<vmem>>) target_semaphore(%run_scoped3A : memref<!tpu.dma_semaphore, #tpu.memory_space<semaphore_mem>>)
      %dma_wait3A_469 = tpu.memref_slice %arg4[%mul3A_75] : memref<320000xi32, #tpu.memory_space<hbm>> -> memref<10000xi32, #tpu.memory_space<hbm>>
      %dma_wait3A_470 = tpu.memref_slice %arg4[%mul3A_75] : memref<320000xi32, #tpu.memory_space<hbm>> -> memref<10000xi32, #tpu.memory_space<hbm>>
      tpu.wait_dma2 semaphore(%run_scoped3A : memref<!tpu.dma_semaphore, #tpu.memory_space<semaphore_mem>>) src(%dma_wait3A_470 : memref<10000xi32, #tpu.memory_space<hbm>>) dst(%arg7 : memref<10000xi32, #tpu.memory_space<vmem>>)
      tpu.yield
    }) : () -> ()
    %mul3A_76 = arith.constant 10000 : i32
    %mul3A_77 = arith.muli %add3A, %mul3A_76 : i32
    %dma_wait3A = tpu.memref_slice %arg3[%mul3A_77] : memref<320000xi32, #tpu.memory_space<hbm>> -> memref<10000xi32, #tpu.memory_space<hbm>>
    %dma_wait3A_78 = tpu.memref_slice %arg3[%mul3A_77] : memref<320000xi32, #tpu.memory_space<hbm>> -> memref<10000xi32, #tpu.memory_space<hbm>>
    tpu.wait_dma2 semaphore(%arg12 : memref<!tpu.dma_semaphore, #tpu.memory_space<semaphore_mem>>) src(%dma_wait3A_78 : memref<10000xi32, #tpu.memory_space<hbm>>) dst(%arg6 : memref<10000xi32, #tpu.memory_space<vmem>>)
    %mul3A_79 = arith.constant 640 : i32
    %mul3A_80 = arith.muli %arg1, %mul3A_79 : i32
    %add3A_81 = arith.constant 0 : i32
    %add3A_82 = arith.addi %mul3A_80, %add3A_81 : i32
    %dma_wait3A_83 = arith.constant 0 : i32
    %dma_wait3A_84 = tpu.memref_slice %arg10[%add3A_82, %dma_wait3A_83] : memref<10240x128xf32, #tpu.memory_space<vmem_shared>> -> memref<80x128xf32, #tpu.memory_space<vmem_shared>>
    %dma_wait3A_85 = arith.constant 0 : i32
    %dma_wait3A_86 = tpu.memref_slice %arg10[%add3A_82, %dma_wait3A_85] : memref<10240x128xf32, #tpu.memory_space<vmem_shared>> -> memref<80x128xf32, #tpu.memory_space<vmem_shared>>
    tpu.wait_dma2 semaphore(%arg11 : memref<!tpu.dma_semaphore, #tpu.memory_space<semaphore_mem>>) src(%arg8 : memref<80x128xf32, #tpu.memory_space<vmem>>) dst(%dma_wait3A_86 : memref<80x128xf32, #tpu.memory_space<vmem_shared>>)
    %mul3A_87 = arith.constant 640 : i32
    %mul3A_88 = arith.muli %arg1, %mul3A_87 : i32
    %add3A_89 = arith.constant 80 : i32
    %add3A_90 = arith.addi %mul3A_88, %add3A_89 : i32
    %dma_wait3A_91 = arith.constant 0 : i32
    %dma_wait3A_92 = tpu.memref_slice %arg10[%add3A_90, %dma_wait3A_91] : memref<10240x128xf32, #tpu.memory_space<vmem_shared>> -> memref<80x128xf32, #tpu.memory_space<vmem_shared>>
    %dma_wait3A_93 = arith.constant 0 : i32
    %dma_wait3A_94 = tpu.memref_slice %arg10[%add3A_90, %dma_wait3A_93] : memref<10240x128xf32, #tpu.memory_space<vmem_shared>> -> memref<80x128xf32, #tpu.memory_space<vmem_shared>>
    tpu.wait_dma2 semaphore(%arg11 : memref<!tpu.dma_semaphore, #tpu.memory_space<semaphore_mem>>) src(%arg8 : memref<80x128xf32, #tpu.memory_space<vmem>>) dst(%dma_wait3A_94 : memref<80x128xf32, #tpu.memory_space<vmem_shared>>)
    %mul3A_95 = arith.constant 640 : i32
    %mul3A_96 = arith.muli %arg1, %mul3A_95 : i32
    %add3A_97 = arith.constant 160 : i32
    %add3A_98 = arith.addi %mul3A_96, %add3A_97 : i32
    %dma_wait3A_99 = arith.constant 0 : i32
    %dma_wait3A_100 = tpu.memref_slice %arg10[%add3A_98, %dma_wait3A_99] : memref<10240x128xf32, #tpu.memory_space<vmem_shared>> -> memref<80x128xf32, #tpu.memory_space<vmem_shared>>
    %dma_wait3A_101 = arith.constant 0 : i32
    %dma_wait3A_102 = tpu.memref_slice %arg10[%add3A_98, %dma_wait3A_101] : memref<10240x128xf32, #tpu.memory_space<vmem_shared>> -> memref<80x128xf32, #tpu.memory_space<vmem_shared>>
    tpu.wait_dma2 semaphore(%arg11 : memref<!tpu.dma_semaphore, #tpu.memory_space<semaphore_mem>>) src(%arg8 : memref<80x128xf32, #tpu.memory_space<vmem>>) dst(%dma_wait3A_102 : memref<80x128xf32, #tpu.memory_space<vmem_shared>>)
    %mul3A_103 = arith.constant 640 : i32
    %mul3A_104 = arith.muli %arg1, %mul3A_103 : i32
    %add3A_105 = arith.constant 240 : i32
    %add3A_106 = arith.addi %mul3A_104, %add3A_105 : i32
    %dma_wait3A_107 = arith.constant 0 : i32
    %dma_wait3A_108 = tpu.memref_slice %arg10[%add3A_106, %dma_wait3A_107] : memref<10240x128xf32, #tpu.memory_space<vmem_shared>> -> memref<80x128xf32, #tpu.memory_space<vmem_shared>>
    %dma_wait3A_109 = arith.constant 0 : i32
    %dma_wait3A_110 = tpu.memref_slice %arg10[%add3A_106, %dma_wait3A_109] : memref<10240x128xf32, #tpu.memory_space<vmem_shared>> -> memref<80x128xf32, #tpu.memory_space<vmem_shared>>
    tpu.wait_dma2 semaphore(%arg11 : memref<!tpu.dma_semaphore, #tpu.memory_space<semaphore_mem>>) src(%arg8 : memref<80x128xf32, #tpu.memory_space<vmem>>) dst(%dma_wait3A_110 : memref<80x128xf32, #tpu.memory_space<vmem_shared>>)
    %mul3A_111 = arith.constant 640 : i32
    %mul3A_112 = arith.muli %arg1, %mul3A_111 : i32
    %add3A_113 = arith.constant 320 : i32
    %add3A_114 = arith.addi %mul3A_112, %add3A_113 : i32
    %dma_wait3A_115 = arith.constant 0 : i32
    %dma_wait3A_116 = tpu.memref_slice %arg10[%add3A_114, %dma_wait3A_115] : memref<10240x128xf32, #tpu.memory_space<vmem_shared>> -> memref<80x128xf32, #tpu.memory_space<vmem_shared>>
    %dma_wait3A_117 = arith.constant 0 : i32
    %dma_wait3A_118 = tpu.memref_slice %arg10[%add3A_114, %dma_wait3A_117] : memref<10240x128xf32, #tpu.memory_space<vmem_shared>> -> memref<80x128xf32, #tpu.memory_space<vmem_shared>>
    tpu.wait_dma2 semaphore(%arg11 : memref<!tpu.dma_semaphore, #tpu.memory_space<semaphore_mem>>) src(%arg8 : memref<80x128xf32, #tpu.memory_space<vmem>>) dst(%dma_wait3A_118 : memref<80x128xf32, #tpu.memory_space<vmem_shared>>)
    %mul3A_119 = arith.constant 640 : i32
    %mul3A_120 = arith.muli %arg1, %mul3A_119 : i32
    %add3A_121 = arith.constant 400 : i32
    %add3A_122 = arith.addi %mul3A_120, %add3A_121 : i32
    %dma_wait3A_123 = arith.constant 0 : i32
    %dma_wait3A_124 = tpu.memref_slice %arg10[%add3A_122, %dma_wait3A_123] : memref<10240x128xf32, #tpu.memory_space<vmem_shared>> -> memref<80x128xf32, #tpu.memory_space<vmem_shared>>
    %dma_wait3A_125 = arith.constant 0 : i32
    %dma_wait3A_126 = tpu.memref_slice %arg10[%add3A_122, %dma_wait3A_125] : memref<10240x128xf32, #tpu.memory_space<vmem_shared>> -> memref<80x128xf32, #tpu.memory_space<vmem_shared>>
    tpu.wait_dma2 semaphore(%arg11 : memref<!tpu.dma_semaphore, #tpu.memory_space<semaphore_mem>>) src(%arg8 : memref<80x128xf32, #tpu.memory_space<vmem>>) dst(%dma_wait3A_126 : memref<80x128xf32, #tpu.memory_space<vmem_shared>>)
    %mul3A_127 = arith.constant 640 : i32
    %mul3A_128 = arith.muli %arg1, %mul3A_127 : i32
    %add3A_129 = arith.constant 480 : i32
    %add3A_130 = arith.addi %mul3A_128, %add3A_129 : i32
    %dma_wait3A_131 = arith.constant 0 : i32
    %dma_wait3A_132 = tpu.memref_slice %arg10[%add3A_130, %dma_wait3A_131] : memref<10240x128xf32, #tpu.memory_space<vmem_shared>> -> memref<80x128xf32, #tpu.memory_space<vmem_shared>>
    %dma_wait3A_133 = arith.constant 0 : i32
    %dma_wait3A_134 = tpu.memref_slice %arg10[%add3A_130, %dma_wait3A_133] : memref<10240x128xf32, #tpu.memory_space<vmem_shared>> -> memref<80x128xf32, #tpu.memory_space<vmem_shared>>
    tpu.wait_dma2 semaphore(%arg11 : memref<!tpu.dma_semaphore, #tpu.memory_space<semaphore_mem>>) src(%arg8 : memref<80x128xf32, #tpu.memory_space<vmem>>) dst(%dma_wait3A_134 : memref<80x128xf32, #tpu.memory_space<vmem_shared>>)
    %mul3A_135 = arith.constant 640 : i32
    %mul3A_136 = arith.muli %arg1, %mul3A_135 : i32
    %add3A_137 = arith.constant 560 : i32
    %add3A_138 = arith.addi %mul3A_136, %add3A_137 : i32
    %dma_wait3A_139 = arith.constant 0 : i32
    %dma_wait3A_140 = tpu.memref_slice %arg10[%add3A_138, %dma_wait3A_139] : memref<10240x128xf32, #tpu.memory_space<vmem_shared>> -> memref<80x128xf32, #tpu.memory_space<vmem_shared>>
    %dma_wait3A_141 = arith.constant 0 : i32
    %dma_wait3A_142 = tpu.memref_slice %arg10[%add3A_138, %dma_wait3A_141] : memref<10240x128xf32, #tpu.memory_space<vmem_shared>> -> memref<80x128xf32, #tpu.memory_space<vmem_shared>>
    tpu.wait_dma2 semaphore(%arg11 : memref<!tpu.dma_semaphore, #tpu.memory_space<semaphore_mem>>) src(%arg8 : memref<80x128xf32, #tpu.memory_space<vmem>>) dst(%dma_wait3A_142 : memref<80x128xf32, #tpu.memory_space<vmem_shared>>)
    %barrier3A = arith.constant 0 : index
    tpu.barrier barrier_id(%barrier3A)
    %dma_start3A_143 = arith.constant 0 : i32
    %dma_start3A_144 = tpu.memref_slice %arg6[%dma_start3A_143] : memref<10000xi32, #tpu.memory_space<vmem>> -> memref<80xi32, #tpu.memory_space<vmem>>
    %dma_start3A_145 = arith.constant 0 : i32
    %dma_start3A_146 = arith.constant 0 : i32
    %dma_start3A_147 = tpu.memref_slice %arg2[%dma_start3A_145, %dma_start3A_146] : memref<10000x128xf32, #tpu.memory_space<hbm>> -> memref<10000x128xf32, #tpu.memory_space<hbm>>
    tpu.enqueue_indirect_dma source(%dma_start3A_147 : memref<10000x128xf32, #tpu.memory_space<hbm>>) target(%arg8 : memref<80x128xf32, #tpu.memory_space<vmem>>) offsets(%dma_start3A_144 : memref<80xi32, #tpu.memory_space<vmem>>) semaphore(%arg11 : memref<!tpu.dma_semaphore, #tpu.memory_space<semaphore_mem>>)
    %scan3A_148 = arith.constant 0 : i32
    %scan3A_149 = arith.constant 0 : i32
    %scan3A_150 = arith.constant 61 : i32
    %scan3A_151 = arith.addi %scan3A_149, %scan3A_150 : i32
    %scan3A_152 = arith.constant 1 : i32
    %scan3A_153 = scf.for %scan3A_467 = %scan3A_149 to %scan3A_151 step %scan3A_152 iter_args(%scan3A_468 = %scan3A_148) -> (i32)  : i32 {
      %mul3A_469 = arith.constant 2 : i32
      %mul3A_470 = arith.muli %mul3A_469, %scan3A_467 : i32
      %add3A_471 = arith.constant 1 : i32
      %add3A_472 = arith.addi %mul3A_470, %add3A_471 : i32
      %mul3A_473 = arith.constant 80 : i32
      %mul3A_474 = arith.muli %add3A_472, %mul3A_473 : i32
      %dma_start3A_475 = tpu.memref_slice %arg6[%mul3A_474] : memref<10000xi32, #tpu.memory_space<vmem>> -> memref<80xi32, #tpu.memory_space<vmem>>
      %dma_start3A_476 = arith.constant 0 : i32
      %dma_start3A_477 = arith.constant 0 : i32
      %dma_start3A_478 = tpu.memref_slice %arg2[%dma_start3A_476, %dma_start3A_477] : memref<10000x128xf32, #tpu.memory_space<hbm>> -> memref<10000x128xf32, #tpu.memory_space<hbm>>
      tpu.enqueue_indirect_dma source(%dma_start3A_478 : memref<10000x128xf32, #tpu.memory_space<hbm>>) target(%arg9 : memref<80x128xf32, #tpu.memory_space<vmem>>) offsets(%dma_start3A_475 : memref<80xi32, #tpu.memory_space<vmem>>) semaphore(%arg12 : memref<!tpu.dma_semaphore, #tpu.memory_space<semaphore_mem>>)
      %mul3A_479 = arith.constant 2 : i32
      %mul3A_480 = arith.muli %mul3A_479, %scan3A_467 : i32
      %mul3A_481 = arith.constant 80 : i32
      %mul3A_482 = arith.muli %mul3A_480, %mul3A_481 : i32
      %dma_wait3A_483 = tpu.memref_slice %arg6[%mul3A_482] : memref<10000xi32, #tpu.memory_space<vmem>> -> memref<80xi32, #tpu.memory_space<vmem>>
      %dma_wait3A_484 = arith.constant 0 : i32
      %dma_wait3A_485 = arith.constant 0 : i32
      %dma_wait3A_486 = tpu.memref_slice %arg2[%dma_wait3A_484, %dma_wait3A_485] : memref<10000x128xf32, #tpu.memory_space<hbm>> -> memref<10000x128xf32, #tpu.memory_space<hbm>>
      tpu.wait_indirect_dma semaphore(%arg11 : memref<!tpu.dma_semaphore, #tpu.memory_space<semaphore_mem>>) src(%dma_wait3A_486 : memref<10000x128xf32, #tpu.memory_space<hbm>>) dst(%arg8 : memref<80x128xf32, #tpu.memory_space<vmem>>)
      %mul3A_487 = arith.constant 2 : i32
      %mul3A_488 = arith.muli %mul3A_487, %scan3A_467 : i32
      %mul3A_489 = arith.constant 80 : i32
      %mul3A_490 = arith.muli %mul3A_488, %mul3A_489 : i32
      "tpu.region"() ({
        %run_scoped3A = tpu.sem_alloc : memref<!tpu.dma_semaphore, #tpu.memory_space<semaphore_mem>>
        %dma_start3A_518 = tpu.memref_slice %arg7[%mul3A_490] : memref<10000xi32, #tpu.memory_space<vmem>> -> memref<80xi32, #tpu.memory_space<vmem>>
        %dma_start3A_519 = arith.constant 0 : i32
        %dma_start3A_520 = arith.constant 0 : i32
        %dma_start3A_521 = tpu.memref_slice %arg10[%dma_start3A_519, %dma_start3A_520] : memref<10240x128xf32, #tpu.memory_space<vmem_shared>> -> memref<10240x128xf32, #tpu.memory_space<vmem_shared>>
        tpu.enqueue_indirect_dma source(%arg8 : memref<80x128xf32, #tpu.memory_space<vmem>>) target(%dma_start3A_521 : memref<10240x128xf32, #tpu.memory_space<vmem_shared>>) offsets(%dma_start3A_518 : memref<80xi32, #tpu.memory_space<vmem>>) semaphore(%run_scoped3A : memref<!tpu.dma_semaphore, #tpu.memory_space<semaphore_mem>>) {add = true}
        %dma_wait3A_522 = tpu.memref_slice %arg7[%mul3A_490] : memref<10000xi32, #tpu.memory_space<vmem>> -> memref<80xi32, #tpu.memory_space<vmem>>
        %dma_wait3A_523 = arith.constant 0 : i32
        %dma_wait3A_524 = arith.constant 0 : i32
        %dma_wait3A_525 = tpu.memref_slice %arg10[%dma_wait3A_523, %dma_wait3A_524] : memref<10240x128xf32, #tpu.memory_space<vmem_shared>> -> memref<10240x128xf32, #tpu.memory_space<vmem_shared>>
        tpu.wait_indirect_dma semaphore(%run_scoped3A : memref<!tpu.dma_semaphore, #tpu.memory_space<semaphore_mem>>) src(%arg8 : memref<80x128xf32, #tpu.memory_space<vmem>>) dst(%dma_wait3A_525 : memref<10240x128xf32, #tpu.memory_space<vmem_shared>>)
        tpu.yield
      }) : () -> ()
      %mul3A_491 = arith.constant 2 : i32
      %mul3A_492 = arith.muli %mul3A_491, %scan3A_467 : i32
      %add3A_493 = arith.constant 2 : i32
      %add3A_494 = arith.addi %mul3A_492, %add3A_493 : i32
      %mul3A_495 = arith.constant 80 : i32
      %mul3A_496 = arith.muli %add3A_494, %mul3A_495 : i32
      %dma_start3A_497 = tpu.memref_slice %arg6[%mul3A_496] : memref<10000xi32, #tpu.memory_space<vmem>> -> memref<80xi32, #tpu.memory_space<vmem>>
      %dma_start3A_498 = arith.constant 0 : i32
      %dma_start3A_499 = arith.constant 0 : i32
      %dma_start3A_500 = tpu.memref_slice %arg2[%dma_start3A_498, %dma_start3A_499] : memref<10000x128xf32, #tpu.memory_space<hbm>> -> memref<10000x128xf32, #tpu.memory_space<hbm>>
      tpu.enqueue_indirect_dma source(%dma_start3A_500 : memref<10000x128xf32, #tpu.memory_space<hbm>>) target(%arg8 : memref<80x128xf32, #tpu.memory_space<vmem>>) offsets(%dma_start3A_497 : memref<80xi32, #tpu.memory_space<vmem>>) semaphore(%arg11 : memref<!tpu.dma_semaphore, #tpu.memory_space<semaphore_mem>>)
      %mul3A_501 = arith.constant 2 : i32
      %mul3A_502 = arith.muli %mul3A_501, %scan3A_467 : i32
      %add3A_503 = arith.constant 1 : i32
      %add3A_504 = arith.addi %mul3A_502, %add3A_503 : i32
      %mul3A_505 = arith.constant 80 : i32
      %mul3A_506 = arith.muli %add3A_504, %mul3A_505 : i32
      %dma_wait3A_507 = tpu.memref_slice %arg6[%mul3A_506] : memref<10000xi32, #tpu.memory_space<vmem>> -> memref<80xi32, #tpu.memory_space<vmem>>
      %dma_wait3A_508 = arith.constant 0 : i32
      %dma_wait3A_509 = arith.constant 0 : i32
      %dma_wait3A_510 = tpu.memref_slice %arg2[%dma_wait3A_508, %dma_wait3A_509] : memref<10000x128xf32, #tpu.memory_space<hbm>> -> memref<10000x128xf32, #tpu.memory_space<hbm>>
      tpu.wait_indirect_dma semaphore(%arg12 : memref<!tpu.dma_semaphore, #tpu.memory_space<semaphore_mem>>) src(%dma_wait3A_510 : memref<10000x128xf32, #tpu.memory_space<hbm>>) dst(%arg9 : memref<80x128xf32, #tpu.memory_space<vmem>>)
      %mul3A_511 = arith.constant 2 : i32
      %mul3A_512 = arith.muli %mul3A_511, %scan3A_467 : i32
      %add3A_513 = arith.constant 1 : i32
      %add3A_514 = arith.addi %mul3A_512, %add3A_513 : i32
      %mul3A_515 = arith.constant 80 : i32
      %mul3A_516 = arith.muli %add3A_514, %mul3A_515 : i32
      "tpu.region"() ({
        %run_scoped3A = tpu.sem_alloc : memref<!tpu.dma_semaphore, #tpu.memory_space<semaphore_mem>>
        %dma_start3A_518 = tpu.memref_slice %arg7[%mul3A_516] : memref<10000xi32, #tpu.memory_space<vmem>> -> memref<80xi32, #tpu.memory_space<vmem>>
        %dma_start3A_519 = arith.constant 0 : i32
        %dma_start3A_520 = arith.constant 0 : i32
        %dma_start3A_521 = tpu.memref_slice %arg10[%dma_start3A_519, %dma_start3A_520] : memref<10240x128xf32, #tpu.memory_space<vmem_shared>> -> memref<10240x128xf32, #tpu.memory_space<vmem_shared>>
        tpu.enqueue_indirect_dma source(%arg9 : memref<80x128xf32, #tpu.memory_space<vmem>>) target(%dma_start3A_521 : memref<10240x128xf32, #tpu.memory_space<vmem_shared>>) offsets(%dma_start3A_518 : memref<80xi32, #tpu.memory_space<vmem>>) semaphore(%run_scoped3A : memref<!tpu.dma_semaphore, #tpu.memory_space<semaphore_mem>>) {add = true}
        %dma_wait3A_522 = tpu.memref_slice %arg7[%mul3A_516] : memref<10000xi32, #tpu.memory_space<vmem>> -> memref<80xi32, #tpu.memory_space<vmem>>
        %dma_wait3A_523 = arith.constant 0 : i32
        %dma_wait3A_524 = arith.constant 0 : i32
        %dma_wait3A_525 = tpu.memref_slice %arg10[%dma_wait3A_523, %dma_wait3A_524] : memref<10240x128xf32, #tpu.memory_space<vmem_shared>> -> memref<10240x128xf32, #tpu.memory_space<vmem_shared>>
        tpu.wait_indirect_dma semaphore(%run_scoped3A : memref<!tpu.dma_semaphore, #tpu.memory_space<semaphore_mem>>) src(%arg9 : memref<80x128xf32, #tpu.memory_space<vmem>>) dst(%dma_wait3A_525 : memref<10240x128xf32, #tpu.memory_space<vmem_shared>>)
        tpu.yield
      }) : () -> ()
      %scan3A_517 = arith.constant 0 : i32
      scf.yield %scan3A_517 : i32
    }
    %scan3A_154 = arith.constant 61 : i32
    %dma_start3A_155 = arith.constant 9840 : i32
    %dma_start3A_156 = tpu.memref_slice %arg6[%dma_start3A_155] : memref<10000xi32, #tpu.memory_space<vmem>> -> memref<80xi32, #tpu.memory_space<vmem>>
    %dma_start3A_157 = arith.constant 0 : i32
    %dma_start3A_158 = arith.constant 0 : i32
    %dma_start3A_159 = tpu.memref_slice %arg2[%dma_start3A_157, %dma_start3A_158] : memref<10000x128xf32, #tpu.memory_space<hbm>> -> memref<10000x128xf32, #tpu.memory_space<hbm>>
    tpu.enqueue_indirect_dma source(%dma_start3A_159 : memref<10000x128xf32, #tpu.memory_space<hbm>>) target(%arg9 : memref<80x128xf32, #tpu.memory_space<vmem>>) offsets(%dma_start3A_156 : memref<80xi32, #tpu.memory_space<vmem>>) semaphore(%arg12 : memref<!tpu.dma_semaphore, #tpu.memory_space<semaphore_mem>>)
    %dma_wait3A_160 = arith.constant 9760 : i32
    %dma_wait3A_161 = tpu.memref_slice %arg6[%dma_wait3A_160] : memref<10000xi32, #tpu.memory_space<vmem>> -> memref<80xi32, #tpu.memory_space<vmem>>
    %dma_wait3A_162 = arith.constant 0 : i32
    %dma_wait3A_163 = arith.constant 0 : i32
    %dma_wait3A_164 = tpu.memref_slice %arg2[%dma_wait3A_162, %dma_wait3A_163] : memref<10000x128xf32, #tpu.memory_space<hbm>> -> memref<10000x128xf32, #tpu.memory_space<hbm>>
    tpu.wait_indirect_dma semaphore(%arg11 : memref<!tpu.dma_semaphore, #tpu.memory_space<semaphore_mem>>) src(%dma_wait3A_164 : memref<10000x128xf32, #tpu.memory_space<hbm>>) dst(%arg8 : memref<80x128xf32, #tpu.memory_space<vmem>>)
    "tpu.region"() ({
      %run_scoped3A = tpu.sem_alloc : memref<!tpu.dma_semaphore, #tpu.memory_space<semaphore_mem>>
      %dma_start3A_467 = arith.constant 9760 : i32
      %dma_start3A_468 = tpu.memref_slice %arg7[%dma_start3A_467] : memref<10000xi32, #tpu.memory_space<vmem>> -> memref<80xi32, #tpu.memory_space<vmem>>
      %dma_start3A_469 = arith.constant 0 : i32
      %dma_start3A_470 = arith.constant 0 : i32
      %dma_start3A_471 = tpu.memref_slice %arg10[%dma_start3A_469, %dma_start3A_470] : memref<10240x128xf32, #tpu.memory_space<vmem_shared>> -> memref<10240x128xf32, #tpu.memory_space<vmem_shared>>
      tpu.enqueue_indirect_dma source(%arg8 : memref<80x128xf32, #tpu.memory_space<vmem>>) target(%dma_start3A_471 : memref<10240x128xf32, #tpu.memory_space<vmem_shared>>) offsets(%dma_start3A_468 : memref<80xi32, #tpu.memory_space<vmem>>) semaphore(%run_scoped3A : memref<!tpu.dma_semaphore, #tpu.memory_space<semaphore_mem>>) {add = true}
      %dma_wait3A_472 = arith.constant 9760 : i32
      %dma_wait3A_473 = tpu.memref_slice %arg7[%dma_wait3A_472] : memref<10000xi32, #tpu.memory_space<vmem>> -> memref<80xi32, #tpu.memory_space<vmem>>
      %dma_wait3A_474 = arith.constant 0 : i32
      %dma_wait3A_475 = arith.constant 0 : i32
      %dma_wait3A_476 = tpu.memref_slice %arg10[%dma_wait3A_474, %dma_wait3A_475] : memref<10240x128xf32, #tpu.memory_space<vmem_shared>> -> memref<10240x128xf32, #tpu.memory_space<vmem_shared>>
      tpu.wait_indirect_dma semaphore(%run_scoped3A : memref<!tpu.dma_semaphore, #tpu.memory_space<semaphore_mem>>) src(%arg8 : memref<80x128xf32, #tpu.memory_space<vmem>>) dst(%dma_wait3A_476 : memref<10240x128xf32, #tpu.memory_space<vmem_shared>>)
      tpu.yield
    }) : () -> ()
    %dma_start3A_165 = arith.constant 9920 : i32
    %dma_start3A_166 = tpu.memref_slice %arg6[%dma_start3A_165] : memref<10000xi32, #tpu.memory_space<vmem>> -> memref<80xi32, #tpu.memory_space<vmem>>
    %dma_start3A_167 = arith.constant 0 : i32
    %dma_start3A_168 = arith.constant 0 : i32
    %dma_start3A_169 = tpu.memref_slice %arg2[%dma_start3A_167, %dma_start3A_168] : memref<10000x128xf32, #tpu.memory_space<hbm>> -> memref<10000x128xf32, #tpu.memory_space<hbm>>
    tpu.enqueue_indirect_dma source(%dma_start3A_169 : memref<10000x128xf32, #tpu.memory_space<hbm>>) target(%arg8 : memref<80x128xf32, #tpu.memory_space<vmem>>) offsets(%dma_start3A_166 : memref<80xi32, #tpu.memory_space<vmem>>) semaphore(%arg11 : memref<!tpu.dma_semaphore, #tpu.memory_space<semaphore_mem>>)
    %dma_wait3A_170 = arith.constant 9840 : i32
    %dma_wait3A_171 = tpu.memref_slice %arg6[%dma_wait3A_170] : memref<10000xi32, #tpu.memory_space<vmem>> -> memref<80xi32, #tpu.memory_space<vmem>>
    %dma_wait3A_172 = arith.constant 0 : i32
    %dma_wait3A_173 = arith.constant 0 : i32
    %dma_wait3A_174 = tpu.memref_slice %arg2[%dma_wait3A_172, %dma_wait3A_173] : memref<10000x128xf32, #tpu.memory_space<hbm>> -> memref<10000x128xf32, #tpu.memory_space<hbm>>
    tpu.wait_indirect_dma semaphore(%arg12 : memref<!tpu.dma_semaphore, #tpu.memory_space<semaphore_mem>>) src(%dma_wait3A_174 : memref<10000x128xf32, #tpu.memory_space<hbm>>) dst(%arg9 : memref<80x128xf32, #tpu.memory_space<vmem>>)
    "tpu.region"() ({
      %run_scoped3A = tpu.sem_alloc : memref<!tpu.dma_semaphore, #tpu.memory_space<semaphore_mem>>
      %dma_start3A_467 = arith.constant 9840 : i32
      %dma_start3A_468 = tpu.memref_slice %arg7[%dma_start3A_467] : memref<10000xi32, #tpu.memory_space<vmem>> -> memref<80xi32, #tpu.memory_space<vmem>>
      %dma_start3A_469 = arith.constant 0 : i32
      %dma_start3A_470 = arith.constant 0 : i32
      %dma_start3A_471 = tpu.memref_slice %arg10[%dma_start3A_469, %dma_start3A_470] : memref<10240x128xf32, #tpu.memory_space<vmem_shared>> -> memref<10240x128xf32, #tpu.memory_space<vmem_shared>>
      tpu.enqueue_indirect_dma source(%arg9 : memref<80x128xf32, #tpu.memory_space<vmem>>) target(%dma_start3A_471 : memref<10240x128xf32, #tpu.memory_space<vmem_shared>>) offsets(%dma_start3A_468 : memref<80xi32, #tpu.memory_space<vmem>>) semaphore(%run_scoped3A : memref<!tpu.dma_semaphore, #tpu.memory_space<semaphore_mem>>) {add = true}
      %dma_wait3A_472 = arith.constant 9840 : i32
      %dma_wait3A_473 = tpu.memref_slice %arg7[%dma_wait3A_472] : memref<10000xi32, #tpu.memory_space<vmem>> -> memref<80xi32, #tpu.memory_space<vmem>>
      %dma_wait3A_474 = arith.constant 0 : i32
      %dma_wait3A_475 = arith.constant 0 : i32
      %dma_wait3A_476 = tpu.memref_slice %arg10[%dma_wait3A_474, %dma_wait3A_475] : memref<10240x128xf32, #tpu.memory_space<vmem_shared>> -> memref<10240x128xf32, #tpu.memory_space<vmem_shared>>
      tpu.wait_indirect_dma semaphore(%run_scoped3A : memref<!tpu.dma_semaphore, #tpu.memory_space<semaphore_mem>>) src(%arg9 : memref<80x128xf32, #tpu.memory_space<vmem>>) dst(%dma_wait3A_476 : memref<10240x128xf32, #tpu.memory_space<vmem_shared>>)
      tpu.yield
    }) : () -> ()
    %dma_wait3A_175 = arith.constant 9920 : i32
    %dma_wait3A_176 = tpu.memref_slice %arg6[%dma_wait3A_175] : memref<10000xi32, #tpu.memory_space<vmem>> -> memref<80xi32, #tpu.memory_space<vmem>>
    %dma_wait3A_177 = arith.constant 0 : i32
    %dma_wait3A_178 = arith.constant 0 : i32
    %dma_wait3A_179 = tpu.memref_slice %arg2[%dma_wait3A_177, %dma_wait3A_178] : memref<10000x128xf32, #tpu.memory_space<hbm>> -> memref<10000x128xf32, #tpu.memory_space<hbm>>
    tpu.wait_indirect_dma semaphore(%arg11 : memref<!tpu.dma_semaphore, #tpu.memory_space<semaphore_mem>>) src(%dma_wait3A_179 : memref<10000x128xf32, #tpu.memory_space<hbm>>) dst(%arg8 : memref<80x128xf32, #tpu.memory_space<vmem>>)
    "tpu.region"() ({
      %run_scoped3A = tpu.sem_alloc : memref<!tpu.dma_semaphore, #tpu.memory_space<semaphore_mem>>
      %dma_start3A_467 = arith.constant 9920 : i32
      %dma_start3A_468 = tpu.memref_slice %arg7[%dma_start3A_467] : memref<10000xi32, #tpu.memory_space<vmem>> -> memref<80xi32, #tpu.memory_space<vmem>>
      %dma_start3A_469 = arith.constant 0 : i32
      %dma_start3A_470 = arith.constant 0 : i32
      %dma_start3A_471 = tpu.memref_slice %arg10[%dma_start3A_469, %dma_start3A_470] : memref<10240x128xf32, #tpu.memory_space<vmem_shared>> -> memref<10240x128xf32, #tpu.memory_space<vmem_shared>>
      tpu.enqueue_indirect_dma source(%arg8 : memref<80x128xf32, #tpu.memory_space<vmem>>) target(%dma_start3A_471 : memref<10240x128xf32, #tpu.memory_space<vmem_shared>>) offsets(%dma_start3A_468 : memref<80xi32, #tpu.memory_space<vmem>>) semaphore(%run_scoped3A : memref<!tpu.dma_semaphore, #tpu.memory_space<semaphore_mem>>) {add = true}
      %dma_wait3A_472 = arith.constant 9920 : i32
      %dma_wait3A_473 = tpu.memref_slice %arg7[%dma_wait3A_472] : memref<10000xi32, #tpu.memory_space<vmem>> -> memref<80xi32, #tpu.memory_space<vmem>>
      %dma_wait3A_474 = arith.constant 0 : i32
      %dma_wait3A_475 = arith.constant 0 : i32
      %dma_wait3A_476 = tpu.memref_slice %arg10[%dma_wait3A_474, %dma_wait3A_475] : memref<10240x128xf32, #tpu.memory_space<vmem_shared>> -> memref<10240x128xf32, #tpu.memory_space<vmem_shared>>
      tpu.wait_indirect_dma semaphore(%run_scoped3A : memref<!tpu.dma_semaphore, #tpu.memory_space<semaphore_mem>>) src(%arg8 : memref<80x128xf32, #tpu.memory_space<vmem>>) dst(%dma_wait3A_476 : memref<10240x128xf32, #tpu.memory_space<vmem_shared>>)
      tpu.yield
    }) : () -> ()
    %barrier3A_180 = arith.constant 0 : index
    tpu.barrier barrier_id(%barrier3A_180)
    %mul3A_181 = arith.constant 640 : i32
    %mul3A_182 = arith.muli %arg1, %mul3A_181 : i32
    %dma_start3A_183 = arith.constant 0 : i32
    %dma_start3A_184 = tpu.memref_slice %arg10[%mul3A_182, %dma_start3A_183] : memref<10240x128xf32, #tpu.memory_space<vmem_shared>> -> memref<80x128xf32, #tpu.memory_space<vmem_shared>>
    %dma_start3A_185 = arith.constant 0 : i32
    %dma_start3A_186 = tpu.memref_slice %arg10[%mul3A_182, %dma_start3A_185] : memref<10240x128xf32, #tpu.memory_space<vmem_shared>> -> memref<80x128xf32, #tpu.memory_space<vmem_shared>>
    tpu.enqueue_dma source(%dma_start3A_186 : memref<80x128xf32, #tpu.memory_space<vmem_shared>>) target(%arg8 : memref<80x128xf32, #tpu.memory_space<vmem>>) target_semaphore(%arg12 : memref<!tpu.dma_semaphore, #tpu.memory_space<semaphore_mem>>)
    %mul3A_187 = arith.constant 640 : i32
    %mul3A_188 = arith.muli %arg1, %mul3A_187 : i32
    %add3A_189 = arith.constant 80 : i32
    %add3A_190 = arith.addi %mul3A_188, %add3A_189 : i32
    %dma_start3A_191 = arith.constant 0 : i32
    %dma_start3A_192 = tpu.memref_slice %arg10[%add3A_190, %dma_start3A_191] : memref<10240x128xf32, #tpu.memory_space<vmem_shared>> -> memref<80x128xf32, #tpu.memory_space<vmem_shared>>
    %dma_start3A_193 = arith.constant 0 : i32
    %dma_start3A_194 = tpu.memref_slice %arg10[%add3A_190, %dma_start3A_193] : memref<10240x128xf32, #tpu.memory_space<vmem_shared>> -> memref<80x128xf32, #tpu.memory_space<vmem_shared>>
    tpu.enqueue_dma source(%dma_start3A_194 : memref<80x128xf32, #tpu.memory_space<vmem_shared>>) target(%arg9 : memref<80x128xf32, #tpu.memory_space<vmem>>) target_semaphore(%arg12 : memref<!tpu.dma_semaphore, #tpu.memory_space<semaphore_mem>>)
    %mul3A_195 = arith.constant 640 : i32
    %mul3A_196 = arith.muli %arg1, %mul3A_195 : i32
    %add3A_197 = arith.constant 0 : i32
    %add3A_198 = arith.addi %mul3A_196, %add3A_197 : i32
    %dma_wait3A_199 = arith.constant 0 : i32
    %dma_wait3A_200 = tpu.memref_slice %arg10[%add3A_198, %dma_wait3A_199] : memref<10240x128xf32, #tpu.memory_space<vmem_shared>> -> memref<80x128xf32, #tpu.memory_space<vmem_shared>>
    %dma_wait3A_201 = arith.constant 0 : i32
    %dma_wait3A_202 = tpu.memref_slice %arg10[%add3A_198, %dma_wait3A_201] : memref<10240x128xf32, #tpu.memory_space<vmem_shared>> -> memref<80x128xf32, #tpu.memory_space<vmem_shared>>
    tpu.wait_dma2 semaphore(%arg12 : memref<!tpu.dma_semaphore, #tpu.memory_space<semaphore_mem>>) src(%dma_wait3A_202 : memref<80x128xf32, #tpu.memory_space<vmem_shared>>) dst(%arg8 : memref<80x128xf32, #tpu.memory_space<vmem>>)
    %mul3A_203 = arith.constant 640 : i32
    %mul3A_204 = arith.muli %arg1, %mul3A_203 : i32
    %add3A_205 = arith.constant 0 : i32
    %add3A_206 = arith.addi %mul3A_204, %add3A_205 : i32
    %dma_start3A_207 = arith.constant 0 : i32
    %dma_start3A_208 = tpu.memref_slice %arg5[%arg0, %add3A_206, %dma_start3A_207] : memref<2x10240x128xf32, #tpu.memory_space<hbm>> -> memref<1x80x128xf32, #tpu.memory_space<hbm>>
    %dma_start3A_209 = tpu.memref_squeeze %dma_start3A_208 : memref<1x80x128xf32, #tpu.memory_space<hbm>> -> memref<80x128xf32, #tpu.memory_space<hbm>>
    %dma_start3A_210 = arith.constant 0 : i32
    %dma_start3A_211 = tpu.memref_slice %arg5[%arg0, %add3A_206, %dma_start3A_210] : memref<2x10240x128xf32, #tpu.memory_space<hbm>> -> memref<1x80x128xf32, #tpu.memory_space<hbm>>
    %dma_start3A_212 = tpu.memref_squeeze %dma_start3A_211 : memref<1x80x128xf32, #tpu.memory_space<hbm>> -> memref<80x128xf32, #tpu.memory_space<hbm>>
    tpu.enqueue_dma source(%arg8 : memref<80x128xf32, #tpu.memory_space<vmem>>) target(%dma_start3A_212 : memref<80x128xf32, #tpu.memory_space<hbm>>) target_semaphore(%arg11 : memref<!tpu.dma_semaphore, #tpu.memory_space<semaphore_mem>>)
    %mul3A_213 = arith.constant 640 : i32
    %mul3A_214 = arith.muli %arg1, %mul3A_213 : i32
    %add3A_215 = arith.constant 160 : i32
    %add3A_216 = arith.addi %mul3A_214, %add3A_215 : i32
    %dma_start3A_217 = arith.constant 0 : i32
    %dma_start3A_218 = tpu.memref_slice %arg10[%add3A_216, %dma_start3A_217] : memref<10240x128xf32, #tpu.memory_space<vmem_shared>> -> memref<80x128xf32, #tpu.memory_space<vmem_shared>>
    %dma_start3A_219 = arith.constant 0 : i32
    %dma_start3A_220 = tpu.memref_slice %arg10[%add3A_216, %dma_start3A_219] : memref<10240x128xf32, #tpu.memory_space<vmem_shared>> -> memref<80x128xf32, #tpu.memory_space<vmem_shared>>
    tpu.enqueue_dma source(%dma_start3A_220 : memref<80x128xf32, #tpu.memory_space<vmem_shared>>) target(%arg8 : memref<80x128xf32, #tpu.memory_space<vmem>>) target_semaphore(%arg12 : memref<!tpu.dma_semaphore, #tpu.memory_space<semaphore_mem>>)
    %mul3A_221 = arith.constant 640 : i32
    %mul3A_222 = arith.muli %arg1, %mul3A_221 : i32
    %add3A_223 = arith.constant 80 : i32
    %add3A_224 = arith.addi %mul3A_222, %add3A_223 : i32
    %dma_wait3A_225 = arith.constant 0 : i32
    %dma_wait3A_226 = tpu.memref_slice %arg10[%add3A_224, %dma_wait3A_225] : memref<10240x128xf32, #tpu.memory_space<vmem_shared>> -> memref<80x128xf32, #tpu.memory_space<vmem_shared>>
    %dma_wait3A_227 = arith.constant 0 : i32
    %dma_wait3A_228 = tpu.memref_slice %arg10[%add3A_224, %dma_wait3A_227] : memref<10240x128xf32, #tpu.memory_space<vmem_shared>> -> memref<80x128xf32, #tpu.memory_space<vmem_shared>>
    tpu.wait_dma2 semaphore(%arg12 : memref<!tpu.dma_semaphore, #tpu.memory_space<semaphore_mem>>) src(%dma_wait3A_228 : memref<80x128xf32, #tpu.memory_space<vmem_shared>>) dst(%arg9 : memref<80x128xf32, #tpu.memory_space<vmem>>)
    %mul3A_229 = arith.constant 640 : i32
    %mul3A_230 = arith.muli %arg1, %mul3A_229 : i32
    %add3A_231 = arith.constant 80 : i32
    %add3A_232 = arith.addi %mul3A_230, %add3A_231 : i32
    %dma_start3A_233 = arith.constant 0 : i32
    %dma_start3A_234 = tpu.memref_slice %arg5[%arg0, %add3A_232, %dma_start3A_233] : memref<2x10240x128xf32, #tpu.memory_space<hbm>> -> memref<1x80x128xf32, #tpu.memory_space<hbm>>
    %dma_start3A_235 = tpu.memref_squeeze %dma_start3A_234 : memref<1x80x128xf32, #tpu.memory_space<hbm>> -> memref<80x128xf32, #tpu.memory_space<hbm>>
    %dma_start3A_236 = arith.constant 0 : i32
    %dma_start3A_237 = tpu.memref_slice %arg5[%arg0, %add3A_232, %dma_start3A_236] : memref<2x10240x128xf32, #tpu.memory_space<hbm>> -> memref<1x80x128xf32, #tpu.memory_space<hbm>>
    %dma_start3A_238 = tpu.memref_squeeze %dma_start3A_237 : memref<1x80x128xf32, #tpu.memory_space<hbm>> -> memref<80x128xf32, #tpu.memory_space<hbm>>
    tpu.enqueue_dma source(%arg9 : memref<80x128xf32, #tpu.memory_space<vmem>>) target(%dma_start3A_238 : memref<80x128xf32, #tpu.memory_space<hbm>>) target_semaphore(%arg11 : memref<!tpu.dma_semaphore, #tpu.memory_space<semaphore_mem>>)
    %mul3A_239 = arith.constant 640 : i32
    %mul3A_240 = arith.muli %arg1, %mul3A_239 : i32
    %add3A_241 = arith.constant 0 : i32
    %add3A_242 = arith.addi %mul3A_240, %add3A_241 : i32
    %dma_wait3A_243 = arith.constant 0 : i32
    %dma_wait3A_244 = tpu.memref_slice %arg5[%arg0, %add3A_242, %dma_wait3A_243] : memref<2x10240x128xf32, #tpu.memory_space<hbm>> -> memref<1x80x128xf32, #tpu.memory_space<hbm>>
    %dma_wait3A_245 = tpu.memref_squeeze %dma_wait3A_244 : memref<1x80x128xf32, #tpu.memory_space<hbm>> -> memref<80x128xf32, #tpu.memory_space<hbm>>
    %dma_wait3A_246 = arith.constant 0 : i32
    %dma_wait3A_247 = tpu.memref_slice %arg5[%arg0, %add3A_242, %dma_wait3A_246] : memref<2x10240x128xf32, #tpu.memory_space<hbm>> -> memref<1x80x128xf32, #tpu.memory_space<hbm>>
    %dma_wait3A_248 = tpu.memref_squeeze %dma_wait3A_247 : memref<1x80x128xf32, #tpu.memory_space<hbm>> -> memref<80x128xf32, #tpu.memory_space<hbm>>
    tpu.wait_dma2 semaphore(%arg11 : memref<!tpu.dma_semaphore, #tpu.memory_space<semaphore_mem>>) src(%arg8 : memref<80x128xf32, #tpu.memory_space<vmem>>) dst(%dma_wait3A_248 : memref<80x128xf32, #tpu.memory_space<hbm>>)
    %mul3A_249 = arith.constant 640 : i32
    %mul3A_250 = arith.muli %arg1, %mul3A_249 : i32
    %add3A_251 = arith.constant 240 : i32
    %add3A_252 = arith.addi %mul3A_250, %add3A_251 : i32
    %dma_start3A_253 = arith.constant 0 : i32
    %dma_start3A_254 = tpu.memref_slice %arg10[%add3A_252, %dma_start3A_253] : memref<10240x128xf32, #tpu.memory_space<vmem_shared>> -> memref<80x128xf32, #tpu.memory_space<vmem_shared>>
    %dma_start3A_255 = arith.constant 0 : i32
    %dma_start3A_256 = tpu.memref_slice %arg10[%add3A_252, %dma_start3A_255] : memref<10240x128xf32, #tpu.memory_space<vmem_shared>> -> memref<80x128xf32, #tpu.memory_space<vmem_shared>>
    tpu.enqueue_dma source(%dma_start3A_256 : memref<80x128xf32, #tpu.memory_space<vmem_shared>>) target(%arg9 : memref<80x128xf32, #tpu.memory_space<vmem>>) target_semaphore(%arg12 : memref<!tpu.dma_semaphore, #tpu.memory_space<semaphore_mem>>)
    %mul3A_257 = arith.constant 640 : i32
    %mul3A_258 = arith.muli %arg1, %mul3A_257 : i32
    %add3A_259 = arith.constant 160 : i32
    %add3A_260 = arith.addi %mul3A_258, %add3A_259 : i32
    %dma_wait3A_261 = arith.constant 0 : i32
    %dma_wait3A_262 = tpu.memref_slice %arg10[%add3A_260, %dma_wait3A_261] : memref<10240x128xf32, #tpu.memory_space<vmem_shared>> -> memref<80x128xf32, #tpu.memory_space<vmem_shared>>
    %dma_wait3A_263 = arith.constant 0 : i32
    %dma_wait3A_264 = tpu.memref_slice %arg10[%add3A_260, %dma_wait3A_263] : memref<10240x128xf32, #tpu.memory_space<vmem_shared>> -> memref<80x128xf32, #tpu.memory_space<vmem_shared>>
    tpu.wait_dma2 semaphore(%arg12 : memref<!tpu.dma_semaphore, #tpu.memory_space<semaphore_mem>>) src(%dma_wait3A_264 : memref<80x128xf32, #tpu.memory_space<vmem_shared>>) dst(%arg8 : memref<80x128xf32, #tpu.memory_space<vmem>>)
    %mul3A_265 = arith.constant 640 : i32
    %mul3A_266 = arith.muli %arg1, %mul3A_265 : i32
    %add3A_267 = arith.constant 160 : i32
    %add3A_268 = arith.addi %mul3A_266, %add3A_267 : i32
    %dma_start3A_269 = arith.constant 0 : i32
    %dma_start3A_270 = tpu.memref_slice %arg5[%arg0, %add3A_268, %dma_start3A_269] : memref<2x10240x128xf32, #tpu.memory_space<hbm>> -> memref<1x80x128xf32, #tpu.memory_space<hbm>>
    %dma_start3A_271 = tpu.memref_squeeze %dma_start3A_270 : memref<1x80x128xf32, #tpu.memory_space<hbm>> -> memref<80x128xf32, #tpu.memory_space<hbm>>
    %dma_start3A_272 = arith.constant 0 : i32
    %dma_start3A_273 = tpu.memref_slice %arg5[%arg0, %add3A_268, %dma_start3A_272] : memref<2x10240x128xf32, #tpu.memory_space<hbm>> -> memref<1x80x128xf32, #tpu.memory_space<hbm>>
    %dma_start3A_274 = tpu.memref_squeeze %dma_start3A_273 : memref<1x80x128xf32, #tpu.memory_space<hbm>> -> memref<80x128xf32, #tpu.memory_space<hbm>>
    tpu.enqueue_dma source(%arg8 : memref<80x128xf32, #tpu.memory_space<vmem>>) target(%dma_start3A_274 : memref<80x128xf32, #tpu.memory_space<hbm>>) target_semaphore(%arg11 : memref<!tpu.dma_semaphore, #tpu.memory_space<semaphore_mem>>)
    %mul3A_275 = arith.constant 640 : i32
    %mul3A_276 = arith.muli %arg1, %mul3A_275 : i32
    %add3A_277 = arith.constant 80 : i32
    %add3A_278 = arith.addi %mul3A_276, %add3A_277 : i32
    %dma_wait3A_279 = arith.constant 0 : i32
    %dma_wait3A_280 = tpu.memref_slice %arg5[%arg0, %add3A_278, %dma_wait3A_279] : memref<2x10240x128xf32, #tpu.memory_space<hbm>> -> memref<1x80x128xf32, #tpu.memory_space<hbm>>
    %dma_wait3A_281 = tpu.memref_squeeze %dma_wait3A_280 : memref<1x80x128xf32, #tpu.memory_space<hbm>> -> memref<80x128xf32, #tpu.memory_space<hbm>>
    %dma_wait3A_282 = arith.constant 0 : i32
    %dma_wait3A_283 = tpu.memref_slice %arg5[%arg0, %add3A_278, %dma_wait3A_282] : memref<2x10240x128xf32, #tpu.memory_space<hbm>> -> memref<1x80x128xf32, #tpu.memory_space<hbm>>
    %dma_wait3A_284 = tpu.memref_squeeze %dma_wait3A_283 : memref<1x80x128xf32, #tpu.memory_space<hbm>> -> memref<80x128xf32, #tpu.memory_space<hbm>>
    tpu.wait_dma2 semaphore(%arg11 : memref<!tpu.dma_semaphore, #tpu.memory_space<semaphore_mem>>) src(%arg9 : memref<80x128xf32, #tpu.memory_space<vmem>>) dst(%dma_wait3A_284 : memref<80x128xf32, #tpu.memory_space<hbm>>)
    %mul3A_285 = arith.constant 640 : i32
    %mul3A_286 = arith.muli %arg1, %mul3A_285 : i32
    %add3A_287 = arith.constant 320 : i32
    %add3A_288 = arith.addi %mul3A_286, %add3A_287 : i32
    %dma_start3A_289 = arith.constant 0 : i32
    %dma_start3A_290 = tpu.memref_slice %arg10[%add3A_288, %dma_start3A_289] : memref<10240x128xf32, #tpu.memory_space<vmem_shared>> -> memref<80x128xf32, #tpu.memory_space<vmem_shared>>
    %dma_start3A_291 = arith.constant 0 : i32
    %dma_start3A_292 = tpu.memref_slice %arg10[%add3A_288, %dma_start3A_291] : memref<10240x128xf32, #tpu.memory_space<vmem_shared>> -> memref<80x128xf32, #tpu.memory_space<vmem_shared>>
    tpu.enqueue_dma source(%dma_start3A_292 : memref<80x128xf32, #tpu.memory_space<vmem_shared>>) target(%arg8 : memref<80x128xf32, #tpu.memory_space<vmem>>) target_semaphore(%arg12 : memref<!tpu.dma_semaphore, #tpu.memory_space<semaphore_mem>>)
    %mul3A_293 = arith.constant 640 : i32
    %mul3A_294 = arith.muli %arg1, %mul3A_293 : i32
    %add3A_295 = arith.constant 240 : i32
    %add3A_296 = arith.addi %mul3A_294, %add3A_295 : i32
    %dma_wait3A_297 = arith.constant 0 : i32
    %dma_wait3A_298 = tpu.memref_slice %arg10[%add3A_296, %dma_wait3A_297] : memref<10240x128xf32, #tpu.memory_space<vmem_shared>> -> memref<80x128xf32, #tpu.memory_space<vmem_shared>>
    %dma_wait3A_299 = arith.constant 0 : i32
    %dma_wait3A_300 = tpu.memref_slice %arg10[%add3A_296, %dma_wait3A_299] : memref<10240x128xf32, #tpu.memory_space<vmem_shared>> -> memref<80x128xf32, #tpu.memory_space<vmem_shared>>
    tpu.wait_dma2 semaphore(%arg12 : memref<!tpu.dma_semaphore, #tpu.memory_space<semaphore_mem>>) src(%dma_wait3A_300 : memref<80x128xf32, #tpu.memory_space<vmem_shared>>) dst(%arg9 : memref<80x128xf32, #tpu.memory_space<vmem>>)
    %mul3A_301 = arith.constant 640 : i32
    %mul3A_302 = arith.muli %arg1, %mul3A_301 : i32
    %add3A_303 = arith.constant 240 : i32
    %add3A_304 = arith.addi %mul3A_302, %add3A_303 : i32
    %dma_start3A_305 = arith.constant 0 : i32
    %dma_start3A_306 = tpu.memref_slice %arg5[%arg0, %add3A_304, %dma_start3A_305] : memref<2x10240x128xf32, #tpu.memory_space<hbm>> -> memref<1x80x128xf32, #tpu.memory_space<hbm>>
    %dma_start3A_307 = tpu.memref_squeeze %dma_start3A_306 : memref<1x80x128xf32, #tpu.memory_space<hbm>> -> memref<80x128xf32, #tpu.memory_space<hbm>>
    %dma_start3A_308 = arith.constant 0 : i32
    %dma_start3A_309 = tpu.memref_slice %arg5[%arg0, %add3A_304, %dma_start3A_308] : memref<2x10240x128xf32, #tpu.memory_space<hbm>> -> memref<1x80x128xf32, #tpu.memory_space<hbm>>
    %dma_start3A_310 = tpu.memref_squeeze %dma_start3A_309 : memref<1x80x128xf32, #tpu.memory_space<hbm>> -> memref<80x128xf32, #tpu.memory_space<hbm>>
    tpu.enqueue_dma source(%arg9 : memref<80x128xf32, #tpu.memory_space<vmem>>) target(%dma_start3A_310 : memref<80x128xf32, #tpu.memory_space<hbm>>) target_semaphore(%arg11 : memref<!tpu.dma_semaphore, #tpu.memory_space<semaphore_mem>>)
    %mul3A_311 = arith.constant 640 : i32
    %mul3A_312 = arith.muli %arg1, %mul3A_311 : i32
    %add3A_313 = arith.constant 160 : i32
    %add3A_314 = arith.addi %mul3A_312, %add3A_313 : i32
    %dma_wait3A_315 = arith.constant 0 : i32
    %dma_wait3A_316 = tpu.memref_slice %arg5[%arg0, %add3A_314, %dma_wait3A_315] : memref<2x10240x128xf32, #tpu.memory_space<hbm>> -> memref<1x80x128xf32, #tpu.memory_space<hbm>>
    %dma_wait3A_317 = tpu.memref_squeeze %dma_wait3A_316 : memref<1x80x128xf32, #tpu.memory_space<hbm>> -> memref<80x128xf32, #tpu.memory_space<hbm>>
    %dma_wait3A_318 = arith.constant 0 : i32
    %dma_wait3A_319 = tpu.memref_slice %arg5[%arg0, %add3A_314, %dma_wait3A_318] : memref<2x10240x128xf32, #tpu.memory_space<hbm>> -> memref<1x80x128xf32, #tpu.memory_space<hbm>>
    %dma_wait3A_320 = tpu.memref_squeeze %dma_wait3A_319 : memref<1x80x128xf32, #tpu.memory_space<hbm>> -> memref<80x128xf32, #tpu.memory_space<hbm>>
    tpu.wait_dma2 semaphore(%arg11 : memref<!tpu.dma_semaphore, #tpu.memory_space<semaphore_mem>>) src(%arg8 : memref<80x128xf32, #tpu.memory_space<vmem>>) dst(%dma_wait3A_320 : memref<80x128xf32, #tpu.memory_space<hbm>>)
    %mul3A_321 = arith.constant 640 : i32
    %mul3A_322 = arith.muli %arg1, %mul3A_321 : i32
    %add3A_323 = arith.constant 400 : i32
    %add3A_324 = arith.addi %mul3A_322, %add3A_323 : i32
    %dma_start3A_325 = arith.constant 0 : i32
    %dma_start3A_326 = tpu.memref_slice %arg10[%add3A_324, %dma_start3A_325] : memref<10240x128xf32, #tpu.memory_space<vmem_shared>> -> memref<80x128xf32, #tpu.memory_space<vmem_shared>>
    %dma_start3A_327 = arith.constant 0 : i32
    %dma_start3A_328 = tpu.memref_slice %arg10[%add3A_324, %dma_start3A_327] : memref<10240x128xf32, #tpu.memory_space<vmem_shared>> -> memref<80x128xf32, #tpu.memory_space<vmem_shared>>
    tpu.enqueue_dma source(%dma_start3A_328 : memref<80x128xf32, #tpu.memory_space<vmem_shared>>) target(%arg9 : memref<80x128xf32, #tpu.memory_space<vmem>>) target_semaphore(%arg12 : memref<!tpu.dma_semaphore, #tpu.memory_space<semaphore_mem>>)
    %mul3A_329 = arith.constant 640 : i32
    %mul3A_330 = arith.muli %arg1, %mul3A_329 : i32
    %add3A_331 = arith.constant 320 : i32
    %add3A_332 = arith.addi %mul3A_330, %add3A_331 : i32
    %dma_wait3A_333 = arith.constant 0 : i32
    %dma_wait3A_334 = tpu.memref_slice %arg10[%add3A_332, %dma_wait3A_333] : memref<10240x128xf32, #tpu.memory_space<vmem_shared>> -> memref<80x128xf32, #tpu.memory_space<vmem_shared>>
    %dma_wait3A_335 = arith.constant 0 : i32
    %dma_wait3A_336 = tpu.memref_slice %arg10[%add3A_332, %dma_wait3A_335] : memref<10240x128xf32, #tpu.memory_space<vmem_shared>> -> memref<80x128xf32, #tpu.memory_space<vmem_shared>>
    tpu.wait_dma2 semaphore(%arg12 : memref<!tpu.dma_semaphore, #tpu.memory_space<semaphore_mem>>) src(%dma_wait3A_336 : memref<80x128xf32, #tpu.memory_space<vmem_shared>>) dst(%arg8 : memref<80x128xf32, #tpu.memory_space<vmem>>)
    %mul3A_337 = arith.constant 640 : i32
    %mul3A_338 = arith.muli %arg1, %mul3A_337 : i32
    %add3A_339 = arith.constant 320 : i32
    %add3A_340 = arith.addi %mul3A_338, %add3A_339 : i32
    %dma_start3A_341 = arith.constant 0 : i32
    %dma_start3A_342 = tpu.memref_slice %arg5[%arg0, %add3A_340, %dma_start3A_341] : memref<2x10240x128xf32, #tpu.memory_space<hbm>> -> memref<1x80x128xf32, #tpu.memory_space<hbm>>
    %dma_start3A_343 = tpu.memref_squeeze %dma_start3A_342 : memref<1x80x128xf32, #tpu.memory_space<hbm>> -> memref<80x128xf32, #tpu.memory_space<hbm>>
    %dma_start3A_344 = arith.constant 0 : i32
    %dma_start3A_345 = tpu.memref_slice %arg5[%arg0, %add3A_340, %dma_start3A_344] : memref<2x10240x128xf32, #tpu.memory_space<hbm>> -> memref<1x80x128xf32, #tpu.memory_space<hbm>>
    %dma_start3A_346 = tpu.memref_squeeze %dma_start3A_345 : memref<1x80x128xf32, #tpu.memory_space<hbm>> -> memref<80x128xf32, #tpu.memory_space<hbm>>
    tpu.enqueue_dma source(%arg8 : memref<80x128xf32, #tpu.memory_space<vmem>>) target(%dma_start3A_346 : memref<80x128xf32, #tpu.memory_space<hbm>>) target_semaphore(%arg11 : memref<!tpu.dma_semaphore, #tpu.memory_space<semaphore_mem>>)
    %mul3A_347 = arith.constant 640 : i32
    %mul3A_348 = arith.muli %arg1, %mul3A_347 : i32
    %add3A_349 = arith.constant 240 : i32
    %add3A_350 = arith.addi %mul3A_348, %add3A_349 : i32
    %dma_wait3A_351 = arith.constant 0 : i32
    %dma_wait3A_352 = tpu.memref_slice %arg5[%arg0, %add3A_350, %dma_wait3A_351] : memref<2x10240x128xf32, #tpu.memory_space<hbm>> -> memref<1x80x128xf32, #tpu.memory_space<hbm>>
    %dma_wait3A_353 = tpu.memref_squeeze %dma_wait3A_352 : memref<1x80x128xf32, #tpu.memory_space<hbm>> -> memref<80x128xf32, #tpu.memory_space<hbm>>
    %dma_wait3A_354 = arith.constant 0 : i32
    %dma_wait3A_355 = tpu.memref_slice %arg5[%arg0, %add3A_350, %dma_wait3A_354] : memref<2x10240x128xf32, #tpu.memory_space<hbm>> -> memref<1x80x128xf32, #tpu.memory_space<hbm>>
    %dma_wait3A_356 = tpu.memref_squeeze %dma_wait3A_355 : memref<1x80x128xf32, #tpu.memory_space<hbm>> -> memref<80x128xf32, #tpu.memory_space<hbm>>
    tpu.wait_dma2 semaphore(%arg11 : memref<!tpu.dma_semaphore, #tpu.memory_space<semaphore_mem>>) src(%arg9 : memref<80x128xf32, #tpu.memory_space<vmem>>) dst(%dma_wait3A_356 : memref<80x128xf32, #tpu.memory_space<hbm>>)
    %mul3A_357 = arith.constant 640 : i32
    %mul3A_358 = arith.muli %arg1, %mul3A_357 : i32
    %add3A_359 = arith.constant 480 : i32
    %add3A_360 = arith.addi %mul3A_358, %add3A_359 : i32
    %dma_start3A_361 = arith.constant 0 : i32
    %dma_start3A_362 = tpu.memref_slice %arg10[%add3A_360, %dma_start3A_361] : memref<10240x128xf32, #tpu.memory_space<vmem_shared>> -> memref<80x128xf32, #tpu.memory_space<vmem_shared>>
    %dma_start3A_363 = arith.constant 0 : i32
    %dma_start3A_364 = tpu.memref_slice %arg10[%add3A_360, %dma_start3A_363] : memref<10240x128xf32, #tpu.memory_space<vmem_shared>> -> memref<80x128xf32, #tpu.memory_space<vmem_shared>>
    tpu.enqueue_dma source(%dma_start3A_364 : memref<80x128xf32, #tpu.memory_space<vmem_shared>>) target(%arg8 : memref<80x128xf32, #tpu.memory_space<vmem>>) target_semaphore(%arg12 : memref<!tpu.dma_semaphore, #tpu.memory_space<semaphore_mem>>)
    %mul3A_365 = arith.constant 640 : i32
    %mul3A_366 = arith.muli %arg1, %mul3A_365 : i32
    %add3A_367 = arith.constant 400 : i32
    %add3A_368 = arith.addi %mul3A_366, %add3A_367 : i32
    %dma_wait3A_369 = arith.constant 0 : i32
    %dma_wait3A_370 = tpu.memref_slice %arg10[%add3A_368, %dma_wait3A_369] : memref<10240x128xf32, #tpu.memory_space<vmem_shared>> -> memref<80x128xf32, #tpu.memory_space<vmem_shared>>
    %dma_wait3A_371 = arith.constant 0 : i32
    %dma_wait3A_372 = tpu.memref_slice %arg10[%add3A_368, %dma_wait3A_371] : memref<10240x128xf32, #tpu.memory_space<vmem_shared>> -> memref<80x128xf32, #tpu.memory_space<vmem_shared>>
    tpu.wait_dma2 semaphore(%arg12 : memref<!tpu.dma_semaphore, #tpu.memory_space<semaphore_mem>>) src(%dma_wait3A_372 : memref<80x128xf32, #tpu.memory_space<vmem_shared>>) dst(%arg9 : memref<80x128xf32, #tpu.memory_space<vmem>>)
    %mul3A_373 = arith.constant 640 : i32
    %mul3A_374 = arith.muli %arg1, %mul3A_373 : i32
    %add3A_375 = arith.constant 400 : i32
    %add3A_376 = arith.addi %mul3A_374, %add3A_375 : i32
    %dma_start3A_377 = arith.constant 0 : i32
    %dma_start3A_378 = tpu.memref_slice %arg5[%arg0, %add3A_376, %dma_start3A_377] : memref<2x10240x128xf32, #tpu.memory_space<hbm>> -> memref<1x80x128xf32, #tpu.memory_space<hbm>>
    %dma_start3A_379 = tpu.memref_squeeze %dma_start3A_378 : memref<1x80x128xf32, #tpu.memory_space<hbm>> -> memref<80x128xf32, #tpu.memory_space<hbm>>
    %dma_start3A_380 = arith.constant 0 : i32
    %dma_start3A_381 = tpu.memref_slice %arg5[%arg0, %add3A_376, %dma_start3A_380] : memref<2x10240x128xf32, #tpu.memory_space<hbm>> -> memref<1x80x128xf32, #tpu.memory_space<hbm>>
    %dma_start3A_382 = tpu.memref_squeeze %dma_start3A_381 : memref<1x80x128xf32, #tpu.memory_space<hbm>> -> memref<80x128xf32, #tpu.memory_space<hbm>>
    tpu.enqueue_dma source(%arg9 : memref<80x128xf32, #tpu.memory_space<vmem>>) target(%dma_start3A_382 : memref<80x128xf32, #tpu.memory_space<hbm>>) target_semaphore(%arg11 : memref<!tpu.dma_semaphore, #tpu.memory_space<semaphore_mem>>)
    %mul3A_383 = arith.constant 640 : i32
    %mul3A_384 = arith.muli %arg1, %mul3A_383 : i32
    %add3A_385 = arith.constant 320 : i32
    %add3A_386 = arith.addi %mul3A_384, %add3A_385 : i32
    %dma_wait3A_387 = arith.constant 0 : i32
    %dma_wait3A_388 = tpu.memref_slice %arg5[%arg0, %add3A_386, %dma_wait3A_387] : memref<2x10240x128xf32, #tpu.memory_space<hbm>> -> memref<1x80x128xf32, #tpu.memory_space<hbm>>
    %dma_wait3A_389 = tpu.memref_squeeze %dma_wait3A_388 : memref<1x80x128xf32, #tpu.memory_space<hbm>> -> memref<80x128xf32, #tpu.memory_space<hbm>>
    %dma_wait3A_390 = arith.constant 0 : i32
    %dma_wait3A_391 = tpu.memref_slice %arg5[%arg0, %add3A_386, %dma_wait3A_390] : memref<2x10240x128xf32, #tpu.memory_space<hbm>> -> memref<1x80x128xf32, #tpu.memory_space<hbm>>
    %dma_wait3A_392 = tpu.memref_squeeze %dma_wait3A_391 : memref<1x80x128xf32, #tpu.memory_space<hbm>> -> memref<80x128xf32, #tpu.memory_space<hbm>>
    tpu.wait_dma2 semaphore(%arg11 : memref<!tpu.dma_semaphore, #tpu.memory_space<semaphore_mem>>) src(%arg8 : memref<80x128xf32, #tpu.memory_space<vmem>>) dst(%dma_wait3A_392 : memref<80x128xf32, #tpu.memory_space<hbm>>)
    %mul3A_393 = arith.constant 640 : i32
    %mul3A_394 = arith.muli %arg1, %mul3A_393 : i32
    %add3A_395 = arith.constant 560 : i32
    %add3A_396 = arith.addi %mul3A_394, %add3A_395 : i32
    %dma_start3A_397 = arith.constant 0 : i32
    %dma_start3A_398 = tpu.memref_slice %arg10[%add3A_396, %dma_start3A_397] : memref<10240x128xf32, #tpu.memory_space<vmem_shared>> -> memref<80x128xf32, #tpu.memory_space<vmem_shared>>
    %dma_start3A_399 = arith.constant 0 : i32
    %dma_start3A_400 = tpu.memref_slice %arg10[%add3A_396, %dma_start3A_399] : memref<10240x128xf32, #tpu.memory_space<vmem_shared>> -> memref<80x128xf32, #tpu.memory_space<vmem_shared>>
    tpu.enqueue_dma source(%dma_start3A_400 : memref<80x128xf32, #tpu.memory_space<vmem_shared>>) target(%arg9 : memref<80x128xf32, #tpu.memory_space<vmem>>) target_semaphore(%arg12 : memref<!tpu.dma_semaphore, #tpu.memory_space<semaphore_mem>>)
    %mul3A_401 = arith.constant 640 : i32
    %mul3A_402 = arith.muli %arg1, %mul3A_401 : i32
    %add3A_403 = arith.constant 480 : i32
    %add3A_404 = arith.addi %mul3A_402, %add3A_403 : i32
    %dma_wait3A_405 = arith.constant 0 : i32
    %dma_wait3A_406 = tpu.memref_slice %arg10[%add3A_404, %dma_wait3A_405] : memref<10240x128xf32, #tpu.memory_space<vmem_shared>> -> memref<80x128xf32, #tpu.memory_space<vmem_shared>>
    %dma_wait3A_407 = arith.constant 0 : i32
    %dma_wait3A_408 = tpu.memref_slice %arg10[%add3A_404, %dma_wait3A_407] : memref<10240x128xf32, #tpu.memory_space<vmem_shared>> -> memref<80x128xf32, #tpu.memory_space<vmem_shared>>
    tpu.wait_dma2 semaphore(%arg12 : memref<!tpu.dma_semaphore, #tpu.memory_space<semaphore_mem>>) src(%dma_wait3A_408 : memref<80x128xf32, #tpu.memory_space<vmem_shared>>) dst(%arg8 : memref<80x128xf32, #tpu.memory_space<vmem>>)
    %mul3A_409 = arith.constant 640 : i32
    %mul3A_410 = arith.muli %arg1, %mul3A_409 : i32
    %add3A_411 = arith.constant 480 : i32
    %add3A_412 = arith.addi %mul3A_410, %add3A_411 : i32
    %dma_start3A_413 = arith.constant 0 : i32
    %dma_start3A_414 = tpu.memref_slice %arg5[%arg0, %add3A_412, %dma_start3A_413] : memref<2x10240x128xf32, #tpu.memory_space<hbm>> -> memref<1x80x128xf32, #tpu.memory_space<hbm>>
    %dma_start3A_415 = tpu.memref_squeeze %dma_start3A_414 : memref<1x80x128xf32, #tpu.memory_space<hbm>> -> memref<80x128xf32, #tpu.memory_space<hbm>>
    %dma_start3A_416 = arith.constant 0 : i32
    %dma_start3A_417 = tpu.memref_slice %arg5[%arg0, %add3A_412, %dma_start3A_416] : memref<2x10240x128xf32, #tpu.memory_space<hbm>> -> memref<1x80x128xf32, #tpu.memory_space<hbm>>
    %dma_start3A_418 = tpu.memref_squeeze %dma_start3A_417 : memref<1x80x128xf32, #tpu.memory_space<hbm>> -> memref<80x128xf32, #tpu.memory_space<hbm>>
    tpu.enqueue_dma source(%arg8 : memref<80x128xf32, #tpu.memory_space<vmem>>) target(%dma_start3A_418 : memref<80x128xf32, #tpu.memory_space<hbm>>) target_semaphore(%arg11 : memref<!tpu.dma_semaphore, #tpu.memory_space<semaphore_mem>>)
    %mul3A_419 = arith.constant 640 : i32
    %mul3A_420 = arith.muli %arg1, %mul3A_419 : i32
    %add3A_421 = arith.constant 400 : i32
    %add3A_422 = arith.addi %mul3A_420, %add3A_421 : i32
    %dma_wait3A_423 = arith.constant 0 : i32
    %dma_wait3A_424 = tpu.memref_slice %arg5[%arg0, %add3A_422, %dma_wait3A_423] : memref<2x10240x128xf32, #tpu.memory_space<hbm>> -> memref<1x80x128xf32, #tpu.memory_space<hbm>>
    %dma_wait3A_425 = tpu.memref_squeeze %dma_wait3A_424 : memref<1x80x128xf32, #tpu.memory_space<hbm>> -> memref<80x128xf32, #tpu.memory_space<hbm>>
    %dma_wait3A_426 = arith.constant 0 : i32
    %dma_wait3A_427 = tpu.memref_slice %arg5[%arg0, %add3A_422, %dma_wait3A_426] : memref<2x10240x128xf32, #tpu.memory_space<hbm>> -> memref<1x80x128xf32, #tpu.memory_space<hbm>>
    %dma_wait3A_428 = tpu.memref_squeeze %dma_wait3A_427 : memref<1x80x128xf32, #tpu.memory_space<hbm>> -> memref<80x128xf32, #tpu.memory_space<hbm>>
    tpu.wait_dma2 semaphore(%arg11 : memref<!tpu.dma_semaphore, #tpu.memory_space<semaphore_mem>>) src(%arg9 : memref<80x128xf32, #tpu.memory_space<vmem>>) dst(%dma_wait3A_428 : memref<80x128xf32, #tpu.memory_space<hbm>>)
    %mul3A_429 = arith.constant 640 : i32
    %mul3A_430 = arith.muli %arg1, %mul3A_429 : i32
    %add3A_431 = arith.constant 560 : i32
    %add3A_432 = arith.addi %mul3A_430, %add3A_431 : i32
    %dma_wait3A_433 = arith.constant 0 : i32
    %dma_wait3A_434 = tpu.memref_slice %arg10[%add3A_432, %dma_wait3A_433] : memref<10240x128xf32, #tpu.memory_space<vmem_shared>> -> memref<80x128xf32, #tpu.memory_space<vmem_shared>>
    %dma_wait3A_435 = arith.constant 0 : i32
    %dma_wait3A_436 = tpu.memref_slice %arg10[%add3A_432, %dma_wait3A_435] : memref<10240x128xf32, #tpu.memory_space<vmem_shared>> -> memref<80x128xf32, #tpu.memory_space<vmem_shared>>
    tpu.wait_dma2 semaphore(%arg12 : memref<!tpu.dma_semaphore, #tpu.memory_space<semaphore_mem>>) src(%dma_wait3A_436 : memref<80x128xf32, #tpu.memory_space<vmem_shared>>) dst(%arg9 : memref<80x128xf32, #tpu.memory_space<vmem>>)
    %mul3A_437 = arith.constant 640 : i32
    %mul3A_438 = arith.muli %arg1, %mul3A_437 : i32
    %add3A_439 = arith.constant 560 : i32
    %add3A_440 = arith.addi %mul3A_438, %add3A_439 : i32
    %dma_start3A_441 = arith.constant 0 : i32
    %dma_start3A_442 = tpu.memref_slice %arg5[%arg0, %add3A_440, %dma_start3A_441] : memref<2x10240x128xf32, #tpu.memory_space<hbm>> -> memref<1x80x128xf32, #tpu.memory_space<hbm>>
    %dma_start3A_443 = tpu.memref_squeeze %dma_start3A_442 : memref<1x80x128xf32, #tpu.memory_space<hbm>> -> memref<80x128xf32, #tpu.memory_space<hbm>>
    %dma_start3A_444 = arith.constant 0 : i32
    %dma_start3A_445 = tpu.memref_slice %arg5[%arg0, %add3A_440, %dma_start3A_444] : memref<2x10240x128xf32, #tpu.memory_space<hbm>> -> memref<1x80x128xf32, #tpu.memory_space<hbm>>
    %dma_start3A_446 = tpu.memref_squeeze %dma_start3A_445 : memref<1x80x128xf32, #tpu.memory_space<hbm>> -> memref<80x128xf32, #tpu.memory_space<hbm>>
    tpu.enqueue_dma source(%arg9 : memref<80x128xf32, #tpu.memory_space<vmem>>) target(%dma_start3A_446 : memref<80x128xf32, #tpu.memory_space<hbm>>) target_semaphore(%arg11 : memref<!tpu.dma_semaphore, #tpu.memory_space<semaphore_mem>>)
    %mul3A_447 = arith.constant 640 : i32
    %mul3A_448 = arith.muli %arg1, %mul3A_447 : i32
    %add3A_449 = arith.constant 480 : i32
    %add3A_450 = arith.addi %mul3A_448, %add3A_449 : i32
    %dma_wait3A_451 = arith.constant 0 : i32
    %dma_wait3A_452 = tpu.memref_slice %arg5[%arg0, %add3A_450, %dma_wait3A_451] : memref<2x10240x128xf32, #tpu.memory_space<hbm>> -> memref<1x80x128xf32, #tpu.memory_space<hbm>>
    %dma_wait3A_453 = tpu.memref_squeeze %dma_wait3A_452 : memref<1x80x128xf32, #tpu.memory_space<hbm>> -> memref<80x128xf32, #tpu.memory_space<hbm>>
    %dma_wait3A_454 = arith.constant 0 : i32
    %dma_wait3A_455 = tpu.memref_slice %arg5[%arg0, %add3A_450, %dma_wait3A_454] : memref<2x10240x128xf32, #tpu.memory_space<hbm>> -> memref<1x80x128xf32, #tpu.memory_space<hbm>>
    %dma_wait3A_456 = tpu.memref_squeeze %dma_wait3A_455 : memref<1x80x128xf32, #tpu.memory_space<hbm>> -> memref<80x128xf32, #tpu.memory_space<hbm>>
    tpu.wait_dma2 semaphore(%arg11 : memref<!tpu.dma_semaphore, #tpu.memory_space<semaphore_mem>>) src(%arg8 : memref<80x128xf32, #tpu.memory_space<vmem>>) dst(%dma_wait3A_456 : memref<80x128xf32, #tpu.memory_space<hbm>>)
    %mul3A_457 = arith.constant 640 : i32
    %mul3A_458 = arith.muli %arg1, %mul3A_457 : i32
    %add3A_459 = arith.constant 560 : i32
    %add3A_460 = arith.addi %mul3A_458, %add3A_459 : i32
    %dma_wait3A_461 = arith.constant 0 : i32
    %dma_wait3A_462 = tpu.memref_slice %arg5[%arg0, %add3A_460, %dma_wait3A_461] : memref<2x10240x128xf32, #tpu.memory_space<hbm>> -> memref<1x80x128xf32, #tpu.memory_space<hbm>>
    %dma_wait3A_463 = tpu.memref_squeeze %dma_wait3A_462 : memref<1x80x128xf32, #tpu.memory_space<hbm>> -> memref<80x128xf32, #tpu.memory_space<hbm>>
    %dma_wait3A_464 = arith.constant 0 : i32
    %dma_wait3A_465 = tpu.memref_slice %arg5[%arg0, %add3A_460, %dma_wait3A_464] : memref<2x10240x128xf32, #tpu.memory_space<hbm>> -> memref<1x80x128xf32, #tpu.memory_space<hbm>>
    %dma_wait3A_466 = tpu.memref_squeeze %dma_wait3A_465 : memref<1x80x128xf32, #tpu.memory_space<hbm>> -> memref<80x128xf32, #tpu.memory_space<hbm>>
    tpu.wait_dma2 semaphore(%arg11 : memref<!tpu.dma_semaphore, #tpu.memory_space<semaphore_mem>>) src(%arg9 : memref<80x128xf32, #tpu.memory_space<vmem>>) dst(%dma_wait3A_466 : memref<80x128xf32, #tpu.memory_space<hbm>>)
    return
  }
}

#map = affine_map<(d0, d1) -> (0)>
#map1 = affine_map<(d0, d1) -> (0, 0)>
module attributes {stable_mosaic.version = 14 : i64} {
  func.func @_deg_call(%arg0: i32, %arg1: i32, %arg2: memref<320000xi32, #tpu.memory_space<hbm>>, %arg3: memref<2x10240xf32, #tpu.memory_space<hbm>>, %arg4: memref<10000xi32, #tpu.memory_space<vmem>>, %arg5: memref<128xf32, #tpu.memory_space<vmem>>, %arg6: memref<640xf32, #tpu.memory_space<vmem>>, %arg7: memref<10240xf32, #tpu.memory_space<vmem_shared>>) attributes {dimension_semantics = [#tpu.dimension_semantics<core_parallel>, #tpu.dimension_semantics<subcore_parallel>], iteration_bounds = array<i64: 2, 16>, scalar_prefetch = 0 : i64, scratch_operands = 4 : i64, tpu.core_type = #tpu.core_type<sc_vector_subcore>, window_params = [{transform_indices = #map}, {transform_indices = #map1}]} {
    %mul3A = arith.constant 16 : i32
    %mul3A_0 = arith.muli %arg0, %mul3A : i32
    %add3A = arith.addi %mul3A_0, %arg1 : i32
    %broadcast_in_dim3A = arith.constant 1.000000e+00 : f32
    %broadcast_in_dim3A_1 = vector.broadcast %broadcast_in_dim3A : f32 to vector<16xf32>
    %swap3A = arith.constant 0 : index
    %swap3A_2 = tpu.vector_load %arg5[%swap3A] {strides = array<i32>} : memref<128xf32, #tpu.memory_space<vmem>>, vector<16xf32>,
    %swap3A_3 = vector.shape_cast %swap3A_2 : vector<16xf32> to vector<16xf32>
    %swap3A_4 = vector.shape_cast %broadcast_in_dim3A_1 : vector<16xf32> to vector<16xf32>
    tpu.vector_store %arg5[%swap3A], %swap3A_4 {strides = array<i32>} : memref<128xf32, #tpu.memory_space<vmem>>, vector<16xf32>,
    %broadcast_in_dim3A_5 = arith.constant 1.000000e+00 : f32
    %broadcast_in_dim3A_6 = vector.broadcast %broadcast_in_dim3A_5 : f32 to vector<16xf32>
    %swap3A_7 = arith.constant 16 : index
    %swap3A_8 = tpu.vector_load %arg5[%swap3A_7] {strides = array<i32>} : memref<128xf32, #tpu.memory_space<vmem>>, vector<16xf32>,
    %swap3A_9 = vector.shape_cast %swap3A_8 : vector<16xf32> to vector<16xf32>
    %swap3A_10 = vector.shape_cast %broadcast_in_dim3A_6 : vector<16xf32> to vector<16xf32>
    tpu.vector_store %arg5[%swap3A_7], %swap3A_10 {strides = array<i32>} : memref<128xf32, #tpu.memory_space<vmem>>, vector<16xf32>,
    %broadcast_in_dim3A_11 = arith.constant 1.000000e+00 : f32
    %broadcast_in_dim3A_12 = vector.broadcast %broadcast_in_dim3A_11 : f32 to vector<16xf32>
    %swap3A_13 = arith.constant 32 : index
    %swap3A_14 = tpu.vector_load %arg5[%swap3A_13] {strides = array<i32>} : memref<128xf32, #tpu.memory_space<vmem>>, vector<16xf32>,
    %swap3A_15 = vector.shape_cast %swap3A_14 : vector<16xf32> to vector<16xf32>
    %swap3A_16 = vector.shape_cast %broadcast_in_dim3A_12 : vector<16xf32> to vector<16xf32>
    tpu.vector_store %arg5[%swap3A_13], %swap3A_16 {strides = array<i32>} : memref<128xf32, #tpu.memory_space<vmem>>, vector<16xf32>,
    %broadcast_in_dim3A_17 = arith.constant 1.000000e+00 : f32
    %broadcast_in_dim3A_18 = vector.broadcast %broadcast_in_dim3A_17 : f32 to vector<16xf32>
    %swap3A_19 = arith.constant 48 : index
    %swap3A_20 = tpu.vector_load %arg5[%swap3A_19] {strides = array<i32>} : memref<128xf32, #tpu.memory_space<vmem>>, vector<16xf32>,
    %swap3A_21 = vector.shape_cast %swap3A_20 : vector<16xf32> to vector<16xf32>
    %swap3A_22 = vector.shape_cast %broadcast_in_dim3A_18 : vector<16xf32> to vector<16xf32>
    tpu.vector_store %arg5[%swap3A_19], %swap3A_22 {strides = array<i32>} : memref<128xf32, #tpu.memory_space<vmem>>, vector<16xf32>,
    %broadcast_in_dim3A_23 = arith.constant 1.000000e+00 : f32
    %broadcast_in_dim3A_24 = vector.broadcast %broadcast_in_dim3A_23 : f32 to vector<16xf32>
    %swap3A_25 = arith.constant 64 : index
    %swap3A_26 = tpu.vector_load %arg5[%swap3A_25] {strides = array<i32>} : memref<128xf32, #tpu.memory_space<vmem>>, vector<16xf32>,
    %swap3A_27 = vector.shape_cast %swap3A_26 : vector<16xf32> to vector<16xf32>
    %swap3A_28 = vector.shape_cast %broadcast_in_dim3A_24 : vector<16xf32> to vector<16xf32>
    tpu.vector_store %arg5[%swap3A_25], %swap3A_28 {strides = array<i32>} : memref<128xf32, #tpu.memory_space<vmem>>, vector<16xf32>,
    %broadcast_in_dim3A_29 = arith.constant 1.000000e+00 : f32
    %broadcast_in_dim3A_30 = vector.broadcast %broadcast_in_dim3A_29 : f32 to vector<16xf32>
    %swap3A_31 = arith.constant 80 : index
    %swap3A_32 = tpu.vector_load %arg5[%swap3A_31] {strides = array<i32>} : memref<128xf32, #tpu.memory_space<vmem>>, vector<16xf32>,
    %swap3A_33 = vector.shape_cast %swap3A_32 : vector<16xf32> to vector<16xf32>
    %swap3A_34 = vector.shape_cast %broadcast_in_dim3A_30 : vector<16xf32> to vector<16xf32>
    tpu.vector_store %arg5[%swap3A_31], %swap3A_34 {strides = array<i32>} : memref<128xf32, #tpu.memory_space<vmem>>, vector<16xf32>,
    %broadcast_in_dim3A_35 = arith.constant 1.000000e+00 : f32
    %broadcast_in_dim3A_36 = vector.broadcast %broadcast_in_dim3A_35 : f32 to vector<16xf32>
    %swap3A_37 = arith.constant 96 : index
    %swap3A_38 = tpu.vector_load %arg5[%swap3A_37] {strides = array<i32>} : memref<128xf32, #tpu.memory_space<vmem>>, vector<16xf32>,
    %swap3A_39 = vector.shape_cast %swap3A_38 : vector<16xf32> to vector<16xf32>
    %swap3A_40 = vector.shape_cast %broadcast_in_dim3A_36 : vector<16xf32> to vector<16xf32>
    tpu.vector_store %arg5[%swap3A_37], %swap3A_40 {strides = array<i32>} : memref<128xf32, #tpu.memory_space<vmem>>, vector<16xf32>,
    %broadcast_in_dim3A_41 = arith.constant 1.000000e+00 : f32
    %broadcast_in_dim3A_42 = vector.broadcast %broadcast_in_dim3A_41 : f32 to vector<16xf32>
    %swap3A_43 = arith.constant 112 : index
    %swap3A_44 = tpu.vector_load %arg5[%swap3A_43] {strides = array<i32>} : memref<128xf32, #tpu.memory_space<vmem>>, vector<16xf32>,
    %swap3A_45 = vector.shape_cast %swap3A_44 : vector<16xf32> to vector<16xf32>
    %swap3A_46 = vector.shape_cast %broadcast_in_dim3A_42 : vector<16xf32> to vector<16xf32>
    tpu.vector_store %arg5[%swap3A_43], %swap3A_46 {strides = array<i32>} : memref<128xf32, #tpu.memory_space<vmem>>, vector<16xf32>,
    %scan3A = arith.constant 0 : i32
    %scan3A_47 = arith.constant 0 : i32
    %scan3A_48 = arith.constant 40 : i32
    %scan3A_49 = arith.addi %scan3A_47, %scan3A_48 : i32
    %scan3A_50 = arith.constant 1 : i32
    %scan3A_51 = scf.for %scan3A_69 = %scan3A_47 to %scan3A_49 step %scan3A_50 iter_args(%scan3A_70 = %scan3A) -> (i32)  : i32 {
      %broadcast_in_dim3A_71 = arith.constant 0.000000e+00 : f32
      %broadcast_in_dim3A_72 = vector.broadcast %broadcast_in_dim3A_71 : f32 to vector<16xf32>
      %mul3A_73 = arith.constant 16 : i32
      %mul3A_74 = arith.muli %scan3A_69, %mul3A_73 : i32
      %swap3A_75 = arith.index_cast %mul3A_74 : i32 to index
      %swap3A_76 = tpu.vector_load %arg6[%swap3A_75] {strides = array<i32>} : memref<640xf32, #tpu.memory_space<vmem>>, vector<16xf32>,
      %swap3A_77 = vector.shape_cast %swap3A_76 : vector<16xf32> to vector<16xf32>
      %swap3A_78 = vector.shape_cast %broadcast_in_dim3A_72 : vector<16xf32> to vector<16xf32>
      tpu.vector_store %arg6[%swap3A_75], %swap3A_78 {strides = array<i32>} : memref<640xf32, #tpu.memory_space<vmem>>, vector<16xf32>,
      %scan3A_79 = arith.constant 0 : i32
      scf.yield %scan3A_79 : i32
    }
    %scan3A_52 = arith.constant 40 : i32
    %mul3A_53 = arith.constant 640 : i32
    %mul3A_54 = arith.muli %arg1, %mul3A_53 : i32
    "tpu.region"() ({
      %run_scoped3A = tpu.sem_alloc : memref<!tpu.dma_semaphore, #tpu.memory_space<semaphore_mem>>
      %dma_start3A = tpu.memref_slice %arg7[%mul3A_54] : memref<10240xf32, #tpu.memory_space<vmem_shared>> -> memref<640xf32, #tpu.memory_space<vmem_shared>>
      %dma_start3A_69 = tpu.memref_slice %arg7[%mul3A_54] : memref<10240xf32, #tpu.memory_space<vmem_shared>> -> memref<640xf32, #tpu.memory_space<vmem_shared>>
      tpu.enqueue_dma source(%arg6 : memref<640xf32, #tpu.memory_space<vmem>>) target(%dma_start3A_69 : memref<640xf32, #tpu.memory_space<vmem_shared>>) target_semaphore(%run_scoped3A : memref<!tpu.dma_semaphore, #tpu.memory_space<semaphore_mem>>)
      %dma_wait3A = tpu.memref_slice %arg7[%mul3A_54] : memref<10240xf32, #tpu.memory_space<vmem_shared>> -> memref<640xf32, #tpu.memory_space<vmem_shared>>
      %dma_wait3A_70 = tpu.memref_slice %arg7[%mul3A_54] : memref<10240xf32, #tpu.memory_space<vmem_shared>> -> memref<640xf32, #tpu.memory_space<vmem_shared>>
      tpu.wait_dma2 semaphore(%run_scoped3A : memref<!tpu.dma_semaphore, #tpu.memory_space<semaphore_mem>>) src(%arg6 : memref<640xf32, #tpu.memory_space<vmem>>) dst(%dma_wait3A_70 : memref<640xf32, #tpu.memory_space<vmem_shared>>)
      tpu.yield
    }) : () -> ()
    %barrier3A = arith.constant 0 : index
    tpu.barrier barrier_id(%barrier3A)
    %mul3A_55 = arith.constant 10000 : i32
    %mul3A_56 = arith.muli %add3A, %mul3A_55 : i32
    "tpu.region"() ({
      %run_scoped3A = tpu.sem_alloc : memref<!tpu.dma_semaphore, #tpu.memory_space<semaphore_mem>>
      %dma_start3A = tpu.memref_slice %arg2[%mul3A_56] : memref<320000xi32, #tpu.memory_space<hbm>> -> memref<10000xi32, #tpu.memory_space<hbm>>
      %dma_start3A_69 = tpu.memref_slice %arg2[%mul3A_56] : memref<320000xi32, #tpu.memory_space<hbm>> -> memref<10000xi32, #tpu.memory_space<hbm>>
      tpu.enqueue_dma source(%dma_start3A_69 : memref<10000xi32, #tpu.memory_space<hbm>>) target(%arg4 : memref<10000xi32, #tpu.memory_space<vmem>>) target_semaphore(%run_scoped3A : memref<!tpu.dma_semaphore, #tpu.memory_space<semaphore_mem>>)
      %dma_wait3A = tpu.memref_slice %arg2[%mul3A_56] : memref<320000xi32, #tpu.memory_space<hbm>> -> memref<10000xi32, #tpu.memory_space<hbm>>
      %dma_wait3A_70 = tpu.memref_slice %arg2[%mul3A_56] : memref<320000xi32, #tpu.memory_space<hbm>> -> memref<10000xi32, #tpu.memory_space<hbm>>
      tpu.wait_dma2 semaphore(%run_scoped3A : memref<!tpu.dma_semaphore, #tpu.memory_space<semaphore_mem>>) src(%dma_wait3A_70 : memref<10000xi32, #tpu.memory_space<hbm>>) dst(%arg4 : memref<10000xi32, #tpu.memory_space<vmem>>)
      tpu.yield
    }) : () -> ()
    %scan3A_57 = arith.constant 0 : i32
    %scan3A_58 = arith.constant 0 : i32
    %scan3A_59 = arith.constant 125 : i32
    %scan3A_60 = arith.addi %scan3A_58, %scan3A_59 : i32
    %scan3A_61 = arith.constant 1 : i32
    %scan3A_62 = scf.for %scan3A_69 = %scan3A_58 to %scan3A_60 step %scan3A_61 iter_args(%scan3A_70 = %scan3A_57) -> (i32)  : i32 {
      %mul3A_71 = arith.constant 80 : i32
      %mul3A_72 = arith.muli %scan3A_69, %mul3A_71 : i32
      "tpu.region"() ({
        %run_scoped3A = tpu.sem_alloc : memref<!tpu.dma_semaphore, #tpu.memory_space<semaphore_mem>>
        %dma_start3A = arith.constant 0 : i32
        %dma_start3A_74 = tpu.memref_slice %arg5[%dma_start3A] : memref<128xf32, #tpu.memory_space<vmem>> -> memref<80xf32, #tpu.memory_space<vmem>>
        %dma_start3A_75 = tpu.memref_slice %arg4[%mul3A_72] : memref<10000xi32, #tpu.memory_space<vmem>> -> memref<80xi32, #tpu.memory_space<vmem>>
        %dma_start3A_76 = arith.constant 0 : i32
        %dma_start3A_77 = tpu.memref_slice %arg7[%dma_start3A_76] : memref<10240xf32, #tpu.memory_space<vmem_shared>> -> memref<10240xf32, #tpu.memory_space<vmem_shared>>
        tpu.enqueue_indirect_dma source(%dma_start3A_74 : memref<80xf32, #tpu.memory_space<vmem>>) target(%dma_start3A_77 : memref<10240xf32, #tpu.memory_space<vmem_shared>>) offsets(%dma_start3A_75 : memref<80xi32, #tpu.memory_space<vmem>>) semaphore(%run_scoped3A : memref<!tpu.dma_semaphore, #tpu.memory_space<semaphore_mem>>) {add = true}
        %dma_wait3A = arith.constant 0 : i32
        %dma_wait3A_78 = tpu.memref_slice %arg5[%dma_wait3A] : memref<128xf32, #tpu.memory_space<vmem>> -> memref<80xf32, #tpu.memory_space<vmem>>
        %dma_wait3A_79 = tpu.memref_slice %arg4[%mul3A_72] : memref<10000xi32, #tpu.memory_space<vmem>> -> memref<80xi32, #tpu.memory_space<vmem>>
        %dma_wait3A_80 = arith.constant 0 : i32
        %dma_wait3A_81 = tpu.memref_slice %arg7[%dma_wait3A_80] : memref<10240xf32, #tpu.memory_space<vmem_shared>> -> memref<10240xf32, #tpu.memory_space<vmem_shared>>
        tpu.wait_indirect_dma semaphore(%run_scoped3A : memref<!tpu.dma_semaphore, #tpu.memory_space<semaphore_mem>>) src(%dma_wait3A_78 : memref<80xf32, #tpu.memory_space<vmem>>) dst(%dma_wait3A_81 : memref<10240xf32, #tpu.memory_space<vmem_shared>>)
        tpu.yield
      }) : () -> ()
      %scan3A_73 = arith.constant 0 : i32
      scf.yield %scan3A_73 : i32
    }
    %scan3A_63 = arith.constant 125 : i32
    %barrier3A_64 = arith.constant 0 : index
    tpu.barrier barrier_id(%barrier3A_64)
    %mul3A_65 = arith.constant 640 : i32
    %mul3A_66 = arith.muli %arg1, %mul3A_65 : i32
    "tpu.region"() ({
      %run_scoped3A = tpu.sem_alloc : memref<!tpu.dma_semaphore, #tpu.memory_space<semaphore_mem>>
      %dma_start3A = tpu.memref_slice %arg7[%mul3A_66] : memref<10240xf32, #tpu.memory_space<vmem_shared>> -> memref<640xf32, #tpu.memory_space<vmem_shared>>
      %dma_start3A_69 = tpu.memref_slice %arg7[%mul3A_66] : memref<10240xf32, #tpu.memory_space<vmem_shared>> -> memref<640xf32, #tpu.memory_space<vmem_shared>>
      tpu.enqueue_dma source(%dma_start3A_69 : memref<640xf32, #tpu.memory_space<vmem_shared>>) target(%arg6 : memref<640xf32, #tpu.memory_space<vmem>>) target_semaphore(%run_scoped3A : memref<!tpu.dma_semaphore, #tpu.memory_space<semaphore_mem>>)
      %dma_wait3A = tpu.memref_slice %arg7[%mul3A_66] : memref<10240xf32, #tpu.memory_space<vmem_shared>> -> memref<640xf32, #tpu.memory_space<vmem_shared>>
      %dma_wait3A_70 = tpu.memref_slice %arg7[%mul3A_66] : memref<10240xf32, #tpu.memory_space<vmem_shared>> -> memref<640xf32, #tpu.memory_space<vmem_shared>>
      tpu.wait_dma2 semaphore(%run_scoped3A : memref<!tpu.dma_semaphore, #tpu.memory_space<semaphore_mem>>) src(%dma_wait3A_70 : memref<640xf32, #tpu.memory_space<vmem_shared>>) dst(%arg6 : memref<640xf32, #tpu.memory_space<vmem>>)
      tpu.yield
    }) : () -> ()
    %mul3A_67 = arith.constant 640 : i32
    %mul3A_68 = arith.muli %arg1, %mul3A_67 : i32
    "tpu.region"() ({
      %run_scoped3A = tpu.sem_alloc : memref<!tpu.dma_semaphore, #tpu.memory_space<semaphore_mem>>
      %dma_start3A = tpu.memref_slice %arg3[%arg0, %mul3A_68] : memref<2x10240xf32, #tpu.memory_space<hbm>> -> memref<1x640xf32, #tpu.memory_space<hbm>>
      %dma_start3A_69 = tpu.memref_squeeze %dma_start3A : memref<1x640xf32, #tpu.memory_space<hbm>> -> memref<640xf32, #tpu.memory_space<hbm>>
      %dma_start3A_70 = tpu.memref_slice %arg3[%arg0, %mul3A_68] : memref<2x10240xf32, #tpu.memory_space<hbm>> -> memref<1x640xf32, #tpu.memory_space<hbm>>
      %dma_start3A_71 = tpu.memref_squeeze %dma_start3A_70 : memref<1x640xf32, #tpu.memory_space<hbm>> -> memref<640xf32, #tpu.memory_space<hbm>>
      tpu.enqueue_dma source(%arg6 : memref<640xf32, #tpu.memory_space<vmem>>) target(%dma_start3A_71 : memref<640xf32, #tpu.memory_space<hbm>>) target_semaphore(%run_scoped3A : memref<!tpu.dma_semaphore, #tpu.memory_space<semaphore_mem>>)
      %dma_wait3A = tpu.memref_slice %arg3[%arg0, %mul3A_68] : memref<2x10240xf32, #tpu.memory_space<hbm>> -> memref<1x640xf32, #tpu.memory_space<hbm>>
      %dma_wait3A_72 = tpu.memref_squeeze %dma_wait3A : memref<1x640xf32, #tpu.memory_space<hbm>> -> memref<640xf32, #tpu.memory_space<hbm>>
      %dma_wait3A_73 = tpu.memref_slice %arg3[%arg0, %mul3A_68] : memref<2x10240xf32, #tpu.memory_space<hbm>> -> memref<1x640xf32, #tpu.memory_space<hbm>>
      %dma_wait3A_74 = tpu.memref_squeeze %dma_wait3A_73 : memref<1x640xf32, #tpu.memory_space<hbm>> -> memref<640xf32, #tpu.memory_space<hbm>>
      tpu.wait_dma2 semaphore(%run_scoped3A : memref<!tpu.dma_semaphore, #tpu.memory_space<semaphore_mem>>) src(%arg6 : memref<640xf32, #tpu.memory_space<vmem>>) dst(%dma_wait3A_74 : memref<640xf32, #tpu.memory_space<hbm>>)
      tpu.yield
    }) : () -> ()
    return
  }
}

module attributes {stable_mosaic.version = 14 : i64} {
  func.func @body(%arg0: memref<2x320000xi32, #tpu.memory_space<vmem>>, %arg1: memref<320000xi32, #tpu.memory_space<vmem>>) attributes {dimension_semantics = [], scalar_prefetch = 0 : i64, scratch_operands = 0 : i64, tpu.core_type = #tpu.core_type<tc>} {
    %get3A = arith.constant 0 : index
    %get3A_0 = arith.constant 0 : index
    %get3A_1 = vector.load %arg0[%get3A, %get3A_0] : memref<2x320000xi32, #tpu.memory_space<vmem>>, vector<1x320000xi32>
    %get3A_2 = vector.shape_cast %get3A_1 : vector<1x320000xi32> to vector<320000xi32>
    %swap3A = arith.constant 0 : index
    %swap3A_3 = vector.load %arg1[%swap3A] : memref<320000xi32, #tpu.memory_space<vmem>>, vector<320000xi32>
    tpu.vector_store %arg1[%swap3A], %get3A_2 {strides = array<i32>} : memref<320000xi32, #tpu.memory_space<vmem>>, vector<320000xi32>,
    return
  }
}

module attributes {stable_mosaic.version = 14 : i64} {
  func.func @_scale_body(%arg0: i32, %arg1: memref<2x10240xf32, #tpu.memory_space<vmem>>, %arg2: memref<10000x128xf32, #tpu.memory_space<vmem>>, %arg3: memref<10000x128xf32, #tpu.memory_space<vmem>>, %arg4: memref<10000x8xf32, #tpu.memory_space<vmem>>) attributes {dimension_semantics = [#tpu.dimension_semantics<arbitrary>], iteration_bounds = array<i64: 1>, scalar_prefetch = 0 : i64, scratch_operands = 0 : i64, tpu.core_type = #tpu.core_type<tc>, window_params = [{pipeline_mode = #tpu.pipeline_mode<synchronous>, transform_indices = @transform_0, window_bounds = array<i64: 2, 10240>}, {pipeline_mode = #tpu.pipeline_mode<synchronous>, transform_indices = @transform_1, window_bounds = array<i64: 10000, 128>}, {pipeline_mode = #tpu.pipeline_mode<synchronous>, transform_indices = @transform_2, window_bounds = array<i64: 10000, 128>}, {pipeline_mode = #tpu.pipeline_mode<synchronous>, transform_indices = @transform_3, window_bounds = array<i64: 10000, 8>}]} {
    %get3A = arith.constant 0 : index
    %get3A_0 = arith.constant 0 : index
    %get3A_1 = vector.load %arg1[%get3A, %get3A_0] : memref<2x10240xf32, #tpu.memory_space<vmem>>, vector<1x10240xf32>
    %get3A_2 = vector.shape_cast %get3A_1 : vector<1x10240xf32> to vector<10240xf32>
    %get3A_3 = arith.constant 1 : index
    %get3A_4 = arith.constant 0 : index
    %get3A_5 = vector.load %arg1[%get3A_3, %get3A_4] : memref<2x10240xf32, #tpu.memory_space<vmem>>, vector<1x10240xf32>
    %get3A_6 = vector.shape_cast %get3A_5 : vector<1x10240xf32> to vector<10240xf32>
    %add3A = arith.addf %get3A_2, %get3A_6 : vector<10240xf32>
    %add3A_7 = arith.constant 1.000000e+00 : f32
    %add3A_8 = vector.broadcast %add3A_7 : f32 to vector<10240xf32>
    %add3A_9 = arith.addf %add3A, %add3A_8 : vector<10240xf32>
    %rsqrt3A = math.rsqrt %add3A_9 : vector<10240xf32>
    %reshape3A = vector.shape_cast %rsqrt3A : vector<10240xf32> to vector<1x10240xf32>
    %transpose3A = tpu.transpose %reshape3A, [1, 0] : vector<1x10240xf32> -> vector<10240x1xf32>
    %slice3A = vector.extract_strided_slice %transpose3A {offsets = [0, 0], sizes = [10000, 1], strides = [1, 1]} : vector<10240x1xf32> to vector<10000x1xf32>
    %get3A_10 = arith.constant 0 : index
    %get3A_11 = arith.constant 0 : index
    %get3A_12 = vector.load %arg2[%get3A_10, %get3A_11] : memref<10000x128xf32, #tpu.memory_space<vmem>>, vector<10000x128xf32>
    %mul3A = vector.broadcast %slice3A : vector<10000x1xf32> to vector<10000x128xf32>
    %mul3A_13 = arith.mulf %get3A_12, %mul3A : vector<10000x128xf32>
    %swap3A = arith.constant 0 : index
    %swap3A_14 = arith.constant 0 : index
    %swap3A_15 = vector.load %arg3[%swap3A, %swap3A_14] : memref<10000x128xf32, #tpu.memory_space<vmem>>, vector<10000x128xf32>
    tpu.vector_store %arg3[%swap3A, %swap3A_14], %mul3A_13 {strides = array<i32>} : memref<10000x128xf32, #tpu.memory_space<vmem>>, vector<10000x128xf32>,
    %broadcast_in_dim3A = vector.shape_cast %slice3A : vector<10000x1xf32> to vector<10000x1xf32>
    %broadcast_in_dim3A_16 = vector.broadcast %broadcast_in_dim3A : vector<10000x1xf32> to vector<10000x8xf32>
    %swap3A_17 = arith.constant 0 : index
    %swap3A_18 = arith.constant 0 : index
    %swap3A_19 = vector.load %arg4[%swap3A_17, %swap3A_18] : memref<10000x8xf32, #tpu.memory_space<vmem>>, vector<10000x8xf32>
    tpu.vector_store %arg4[%swap3A_17, %swap3A_18], %broadcast_in_dim3A_16 {strides = array<i32>} : memref<10000x8xf32, #tpu.memory_space<vmem>>, vector<10000x8xf32>,
    return
  }
  func.func @transform_0(%arg0: i32) -> (i32, i32) {
    %c0_i32 = arith.constant 0 : i32
    %c0_i32_0 = arith.constant 0 : i32
    %c0_i32_1 = arith.constant 0 : i32
    return %c0_i32, %c0_i32_0 : i32, i32
  }
  func.func @transform_1(%arg0: i32) -> (i32, i32) {
    %c0_i32 = arith.constant 0 : i32
    %c0_i32_0 = arith.constant 0 : i32
    %c0_i32_1 = arith.constant 0 : i32
    return %c0_i32, %c0_i32_0 : i32, i32
  }
  func.func @transform_2(%arg0: i32) -> (i32, i32) {
    %c0_i32 = arith.constant 0 : i32
    %c0_i32_0 = arith.constant 0 : i32
    %c0_i32_1 = arith.constant 0 : i32
    return %c0_i32, %c0_i32_0 : i32, i32
  }
  func.func @transform_3(%arg0: i32) -> (i32, i32) {
    %c0_i32 = arith.constant 0 : i32
    %c0_i32_0 = arith.constant 0 : i32
    %c0_i32_1 = arith.constant 0 : i32
    return %c0_i32, %c0_i32_0 : i32, i32
  }
}

module attributes {stable_mosaic.version = 14 : i64} {
  func.func @_final_body(%arg0: i32, %arg1: memref<1000x8xf32, #tpu.memory_space<vmem>>, %arg2: memref<2x1000x128xf32, #tpu.memory_space<vmem>>, %arg3: memref<1000x128xf32, #tpu.memory_space<vmem>>, %arg4: memref<128x128xf32, #tpu.memory_space<vmem>>, %arg5: memref<1x128xf32, #tpu.memory_space<vmem>>, %arg6: memref<1x128xf32, #tpu.memory_space<vmem>>, %arg7: memref<1000x128xf32, #tpu.memory_space<vmem>>) attributes {dimension_semantics = [#tpu.dimension_semantics<arbitrary>], iteration_bounds = array<i64: 10>, scalar_prefetch = 0 : i64, scratch_operands = 0 : i64, tpu.core_type = #tpu.core_type<tc>, window_params = [{transform_indices = @transform_0, window_bounds = array<i64: 1000, 8>}, {transform_indices = @transform_1, window_bounds = array<i64: 2, 1000, 128>}, {transform_indices = @transform_2, window_bounds = array<i64: 1000, 128>}, {pipeline_mode = #tpu.pipeline_mode<synchronous>, transform_indices = @transform_3, window_bounds = array<i64: 128, 128>}, {pipeline_mode = #tpu.pipeline_mode<synchronous>, transform_indices = @transform_4, window_bounds = array<i64: 1, 128>}, {pipeline_mode = #tpu.pipeline_mode<synchronous>, transform_indices = @transform_5, window_bounds = array<i64: 1, 128>}, {transform_indices = @transform_6, window_bounds = array<i64: 1000, 128>}]} {
    %get3A = arith.constant 0 : index
    %get3A_0 = arith.constant 0 : index
    %get3A_1 = vector.load %arg1[%get3A, %get3A_0] : memref<1000x8xf32, #tpu.memory_space<vmem>>, vector<1000x1xf32>
    %get3A_2 = arith.constant 0 : index
    %get3A_3 = arith.constant 0 : index
    %get3A_4 = arith.constant 0 : index
    %get3A_5 = vector.load %arg2[%get3A_2, %get3A_3, %get3A_4] : memref<2x1000x128xf32, #tpu.memory_space<vmem>>, vector<1x1000x128xf32>
    %get3A_6 = vector.shape_cast %get3A_5 : vector<1x1000x128xf32> to vector<1000x128xf32>
    %get3A_7 = arith.constant 1 : index
    %get3A_8 = arith.constant 0 : index
    %get3A_9 = arith.constant 0 : index
    %get3A_10 = vector.load %arg2[%get3A_7, %get3A_8, %get3A_9] : memref<2x1000x128xf32, #tpu.memory_space<vmem>>, vector<1x1000x128xf32>
    %get3A_11 = vector.shape_cast %get3A_10 : vector<1x1000x128xf32> to vector<1000x128xf32>
    %add3A = arith.addf %get3A_6, %get3A_11 : vector<1000x128xf32>
    %get3A_12 = arith.constant 0 : index
    %get3A_13 = arith.constant 0 : index
    %get3A_14 = vector.load %arg3[%get3A_12, %get3A_13] : memref<1000x128xf32, #tpu.memory_space<vmem>>, vector<1000x128xf32>
    %add3A_15 = arith.addf %add3A, %get3A_14 : vector<1000x128xf32>
    %mul3A = vector.broadcast %get3A_1 : vector<1000x1xf32> to vector<1000x128xf32>
    %mul3A_16 = arith.mulf %add3A_15, %mul3A : vector<1000x128xf32>
    %get3A_17 = arith.constant 0 : index
    %get3A_18 = arith.constant 0 : index
    %get3A_19 = vector.load %arg4[%get3A_17, %get3A_18] : memref<128x128xf32, #tpu.memory_space<vmem>>, vector<128x128xf32>
    %dot_general3A = arith.constant dense<0.000000e+00> : vector<1000x128xf32>
    %dot_general3A_20 = tpu.matmul %mul3A_16, %get3A_19, %dot_general3A {dimension_numbers = #tpu.dot_dimension_numbers<[1], [0], [0], [1], [0, 0, 1, 1], [], []>, transpose_lhs_hint = false} : vector<1000x128xf32>, vector<128x128xf32>, vector<1000x128xf32> -> vector<1000x128xf32>
    %get3A_21 = arith.constant 0 : index
    %get3A_22 = arith.constant 0 : index
    %get3A_23 = vector.load %arg5[%get3A_21, %get3A_22] : memref<1x128xf32, #tpu.memory_space<vmem>>, vector<1x128xf32>
    %add3A_24 = vector.broadcast %get3A_23 : vector<1x128xf32> to vector<1000x128xf32>
    %add3A_25 = arith.addf %dot_general3A_20, %add3A_24 : vector<1000x128xf32>
    %ge3A = arith.constant 0.000000e+00 : f32
    %ge3A_26 = vector.broadcast %ge3A : f32 to vector<1000x128xf32>
    %ge3A_27 = arith.cmpf oge, %add3A_25, %ge3A_26 : vector<1000x128xf32>
    %get3A_28 = arith.constant 0 : index
    %get3A_29 = arith.constant 0 : index
    %get3A_30 = vector.load %arg6[%get3A_28, %get3A_29] : memref<1x128xf32, #tpu.memory_space<vmem>>, vector<1x128xf32>
    %mul3A_31 = vector.broadcast %get3A_30 : vector<1x128xf32> to vector<1000x128xf32>
    %mul3A_32 = arith.mulf %mul3A_31, %add3A_25 : vector<1000x128xf32>
    %select_n3A = arith.select %ge3A_27, %add3A_25, %mul3A_32 : vector<1000x128xi1>, vector<1000x128xf32>
    %swap3A = arith.constant 0 : index
    %swap3A_33 = arith.constant 0 : index
    %swap3A_34 = vector.load %arg7[%swap3A, %swap3A_33] : memref<1000x128xf32, #tpu.memory_space<vmem>>, vector<1000x128xf32>
    tpu.vector_store %arg7[%swap3A, %swap3A_33], %select_n3A {strides = array<i32>} : memref<1000x128xf32, #tpu.memory_space<vmem>>, vector<1000x128xf32>,
    return
  }
  func.func @transform_0(%arg0: i32) -> (i32, i32) {
    %c0_i32 = arith.constant 0 : i32
    %c0_i32_0 = arith.constant 0 : i32
    return %arg0, %c0_i32 : i32, i32
  }
  func.func @transform_1(%arg0: i32) -> (i32, i32, i32) {
    %c0_i32 = arith.constant 0 : i32
    %c0_i32_0 = arith.constant 0 : i32
    %c0_i32_1 = arith.constant 0 : i32
    return %c0_i32, %arg0, %c0_i32_0 : i32, i32, i32
  }
  func.func @transform_2(%arg0: i32) -> (i32, i32) {
    %c0_i32 = arith.constant 0 : i32
    %c0_i32_0 = arith.constant 0 : i32
    return %arg0, %c0_i32 : i32, i32
  }
  func.func @transform_3(%arg0: i32) -> (i32, i32) {
    %c0_i32 = arith.constant 0 : i32
    %c0_i32_0 = arith.constant 0 : i32
    %c0_i32_1 = arith.constant 0 : i32
    return %c0_i32, %c0_i32_0 : i32, i32
  }
  func.func @transform_4(%arg0: i32) -> (i32, i32) {
    %c0_i32 = arith.constant 0 : i32
    %c0_i32_0 = arith.constant 0 : i32
    %c0_i32_1 = arith.constant 0 : i32
    return %c0_i32, %c0_i32_0 : i32, i32
  }
  func.func @transform_5(%arg0: i32) -> (i32, i32) {
    %c0_i32 = arith.constant 0 : i32
    %c0_i32_0 = arith.constant 0 : i32
    %c0_i32_1 = arith.constant 0 : i32
    return %c0_i32, %c0_i32_0 : i32, i32
  }
  func.func @transform_6(%arg0: i32) -> (i32, i32) {
    %c0_i32 = arith.constant 0 : i32
    %c0_i32_0 = arith.constant 0 : i32
    return %arg0, %c0_i32 : i32, i32
  }
}

module attributes {stable_mosaic.version = 14 : i64} {
  func.func @body(%arg0: memref<2x320000xi32, #tpu.memory_space<vmem>>, %arg1: memref<320000xi32, #tpu.memory_space<vmem>>) attributes {dimension_semantics = [], scalar_prefetch = 0 : i64, scratch_operands = 0 : i64, tpu.core_type = #tpu.core_type<tc>} {
    %get3A = arith.constant 1 : index
    %get3A_0 = arith.constant 0 : index
    %get3A_1 = vector.load %arg0[%get3A, %get3A_0] : memref<2x320000xi32, #tpu.memory_space<vmem>>, vector<1x320000xi32>
    %get3A_2 = vector.shape_cast %get3A_1 : vector<1x320000xi32> to vector<320000xi32>
    %swap3A = arith.constant 0 : index
    %swap3A_3 = vector.load %arg1[%swap3A] : memref<320000xi32, #tpu.memory_space<vmem>>, vector<320000xi32>
    tpu.vector_store %arg1[%swap3A], %get3A_2 {strides = array<i32>} : memref<320000xi32, #tpu.memory_space<vmem>>, vector<320000xi32>,
    return
  }
}

</mosaic_0001>

<sc_bundles>
// kernel: kernel.11.cloned.1.call-start
scs
__scs_entry_jumppad:
0x0: {  	(pc) =	sbr.rel $0x88, $3  }
0x1: {  	(tag) =	ssettag $0x0;
	lr =	simm.s32 $0x1  }
0x2: {  	[smem:$0x3F9C] =	sst lr;
	_ =	strace $0xD0000000  }
0x3: {  	_ = 	snop  }
0x4: {  	_ = 	snop  }
0x5: {  	_ = 	snop  }
0x6: {  	_ = 	snop  }
0x7: {  	_ = 	snop  }
__scs_overlays_trampoline_lowered:
0x8: {  	[smem:$0x3FAB] =	sst s0  }
0x9: {  	[smem:$0x3FAC] =	sst s1  }
0xa: {  	[smem:$0x3FAD] =	sst s2  }
0xb: {  	[smem:$0x3FAE] =	sst s3  }
0xc: {  	[smem:$0x3FAF] =	sst s4  }
0xd: {  	[smem:$0x3FB0] =	sst s5  }
0xe: {  	[smem:$0x3FB1] =	sst s6  }
0xf: {  	[smem:$0x3FB2] =	sst s7  }
0x10: {  	[smem:$0x3FB3] =	sst s8  }
0x11: {  	[smem:$0x3FB4] =	sst s9;
	s0 =	simm.s32 @!p0 $0x0  }
0x12: {  	s1 =	sld [smem:$0x3F9A];
	s0 =	simm.s32 @p0 $0x1  }
0x13: {  	[smem:$0x3FB5] =	sst s0;
	s0 =	simm.s32 @!p1 $0x0  }
0x14: {  	s2 =	sld [smem:$0x3F99];
	s0 =	simm.s32 @p1 $0x1  }
0x15: {  	[smem:$0x3FB6] =	sst s0;
	s0 =	simm.s32 @!p2 $0x0  }
0x16: {  	s3 =	sld [smem:$0x3FDB];
	s0 =	simm.s32 @p2 $0x1  }
0x17: {  	s4 =	simm.s32 $0x1BF5;
	[smem:$0x3FB8] =	sst s0  }
0x18: {  	s0 =	sld [smem:$0x3F9B];
	_ =	swait.ge [sflag:s4], $0x0  }
0x19: {  	s7 =	sld [smem:$0x3F9C]  }
0x1a: {  	s8 =	sadd.s32 $0xFFFFE003, lr  }
0x1b: {  	s9 =	sadd.s32 $0xFFFFFEF7, lr;
	s5 =	simm.s32 $0xFFFFFFFF;
	p2 =	slt.u32 s8, $0xFFFFF086  }
0x1c: {  	p1 =	slt.u32 s9, $0xF7A;
	s5 =	simm.s32 @!p2 $0x0  }
0x1d: {  	s5 =	simm.s32 @p1 $0x1;
	p0 =	seq.s32 s7, s2  }
0x1e: {  	s7 =	smul.u32 @!p0 $0xF7A, s2;
	p2 =	seq.s32 @!p0 s5, $0x0  }
0x1f: {  	s9 =	smul.u32 $0xF7A, s1;
	s8 =	simm.s32 @!p0 $0x1BF5;
	p2 =	por !p2, p0  }
0x20: {  	[sflag:s8] =	ssyncset.s32 @!p0 $0xFFFFF086;
	s6 =	sadd.s32 @!p0 s3, s7;
	s7 =	simm.s32 @!p0 $0x108  }
0x21: {  	s3 =	sadd.s32 s3, s9;
	s6 =	sadd.s32 @!p0 $0x88, s6;
	s7 =	simm.s32 @p2 $0x1082  }
0x22: {  	[simem:s7], [sflag:s8] =	dma.local @!p0 [hbm:s6], $0xF7A  }
0x23: {  	s9 =	sor.u32 $0xD0000000, s2;
	s6 =	simm.s32 $0x108;
	_ =	swait.ge @!p0 [sflag:s8], $0x0  }
0x24: {  	s3 =	sadd.s32 $0x88, s3;
	s6 =	simm.s32 @!p1 $0x1082;
	[sflag:s4] =	ssyncset.s32 $0xFFFFF086  }
0x25: {  	[simem:s6], [sflag:s4] =	dma.local [hbm:s3], $0xF7A  }
0x26: {  	[smem:$0x3F9C] =	sst s1;
	(tag) =	ssettag s2;
	_ =	strace s9  }
0x27: {  	s1 =	sld [smem:$0x3FAC]  }
0x28: {  	s2 =	sld [smem:$0x3FAD]  }
0x29: {  	s4 =	sld [smem:$0x3FAF]  }
0x2a: {  	p0 =	seq.s32 s5, $0x0;
	s5 =	sld [smem:$0x3FB0]  }
0x2b: {  	s6 =	sld [smem:$0x3FB1]  }
0x2c: {  	s7 =	sld [smem:$0x3FB2]  }
0x2d: {  	s3 =	simm.s32 $0x108;
	s8 =	sld [smem:$0x3FB3]  }
0x2e: {  	s3 =	simm.s32 @!p0 $0x1082;
	s9 =	sld [smem:$0x3FB4]  }
0x2f: {  	lr =	sadd.s32 s0, s3;
	s0 =	sld [smem:$0x3FAB]  }
0x30: {  	s3 =	sld [smem:$0x3FAE]  }
0x31: {  	[smem:$0x3FB7] =	sst s10  }
0x32: {  	s10 =	sld [smem:$0x3FB5];
	_ =	sdelay $0x3  }
0x33: {  	p0 =	seq.s32 s10, $0x1;
	s10 =	sld [smem:$0x3FB7];
	_ =	sdelay $0x3  }
0x34: {  	[smem:$0x3FB7] =	sst s10  }
0x35: {  	s10 =	sld [smem:$0x3FB6];
	_ =	sdelay $0x3  }
0x36: {  	p1 =	seq.s32 s10, $0x1;
	s10 =	sld [smem:$0x3FB7];
	_ =	sdelay $0x3  }
0x37: {  	[smem:$0x3FB7] =	sst s10  }
0x38: {  	s10 =	sld [smem:$0x3FB8]  }
0x39: {  	_ = 	snop;
	(pc) =	sbr.ind lr, $3  }
0x3a: {  	_ = 	snop  }
0x3b: {  	_ = 	snop  }
0x3c: {  	p2 =	seq.s32 s10, $0x1;
	s10 =	sld [smem:$0x3FB7]  }
0x3d: {  	_ =	shalt  }
0x3e: {  	_ =	shalt  }
0x3f: {  	_ =	shalt  }
0x40: {  	_ =	shalt  }
0x41: {  	_ =	shalt  }
0x42: {  	_ =	shalt  }
0x43: {  	_ =	shalt  }
0x44: {  	_ =	shalt  }
0x45: {  	_ =	shalt  }
0x46: {  	_ =	shalt  }
0x47: {  	_ =	shalt  }
0x48: {  	_ =	shalt  }
0x49: {  	_ =	shalt  }
0x4a: {  	_ =	shalt  }
0x4b: {  	_ =	shalt  }
0x4c: {  	_ =	shalt  }
0x4d: {  	_ =	shalt  }
0x4e: {  	_ =	shalt  }
0x4f: {  	_ =	shalt  }
0x50: {  	_ =	shalt  }
0x51: {  	_ =	shalt  }
0x52: {  	_ =	shalt  }
0x53: {  	_ =	shalt  }
0x54: {  	_ =	shalt  }
0x55: {  	_ =	shalt  }
0x56: {  	_ =	shalt  }
0x57: {  	_ =	shalt  }
0x58: {  	_ =	shalt  }
0x59: {  	_ =	shalt  }
0x5a: {  	_ =	shalt  }
0x5b: {  	_ =	shalt  }
0x5c: {  	_ =	shalt  }
0x5d: {  	_ =	shalt  }
0x5e: {  	_ =	shalt  }
0x5f: {  	_ =	shalt  }
0x60: {  	_ =	shalt  }
0x61: {  	_ =	shalt  }
0x62: {  	_ =	shalt  }
0x63: {  	_ =	shalt  }
0x64: {  	_ =	shalt  }
0x65: {  	_ =	shalt  }
0x66: {  	_ =	shalt  }
0x67: {  	_ =	shalt  }
0x68: {  	_ =	shalt  }
0x69: {  	_ =	shalt  }
0x6a: {  	_ =	shalt  }
0x6b: {  	_ =	shalt  }
0x6c: {  	_ =	shalt  }
0x6d: {  	_ =	shalt  }
0x6e: {  	_ =	shalt  }
0x6f: {  	_ =	shalt  }
0x70: {  	_ =	shalt  }
0x71: {  	_ =	shalt  }
0x72: {  	_ =	shalt  }
0x73: {  	_ =	shalt  }
0x74: {  	_ =	shalt  }
0x75: {  	_ =	shalt  }
0x76: {  	_ =	shalt  }
0x77: {  	_ =	shalt  }
0x78: {  	_ =	shalt  }
0x79: {  	_ =	shalt  }
0x7a: {  	_ =	shalt  }
0x7b: {  	_ =	shalt  }
0x7c: {  	_ =	shalt  }
0x7d: {  	_ =	shalt  }
0x7e: {  	_ =	shalt  }
0x7f: {  	_ =	shalt  }
0x80: {  	_ =	shalt  }
0x81: {  	_ =	shalt  }
0x82: {  	_ =	shalt  }
0x83: {  	_ =	shalt  }
0x84: {  	_ =	shalt  }
0x85: {  	_ =	shalt  }
0x86: {  	_ =	shalt  }
0x87: {  	_ =	shalt  }
.Lfunc_end0:
.L_simem_size_0:
called_computation.1_lowered:
.L_overlay_start_0:
0x88: {  	s2 =	sld [smem:$0x3FD9]  }
0x89: {  	s3 =	sld [smem:$0x3FFE];
	_ =	sdelay $0x1  }
0x8a: {  	s1 =	srdreg.scid  }
0x8b: {  	s0 =	sand.u32 $0x1, s1  }
0x8c: {  	s17 =	sshll.u32 s0, $0xA;
	s2 =	sadd.s32 s3, s2  }
0x8d: {  	s2 =	sadd.s32 s2, s17  }
0x8e: {  	[smem:$0x3FC3] =	sst s2  }
0x8f: {  	_ = 	snop  }
0x90: {  	s2 =	sld [smem:$0x3FD0];
	(tm) =	ssettm $0x1  }
0x91: {  	s18 =	sld [smem:$0x3FFB];
	_ =	sdelay $0x3  }
0x92: {  	_ =	strace s18  }
0x93: {  	s3 =	sld [smem:$0x3FFC];
	_ =	sdelay $0x3  }
0x94: {  	_ =	strace s3  }
0x95: {  	s3 =	sld [smem:$0x3FFD];
	_ =	sdelay $0x3  }
0x96: {  	_ =	strace s3  }
0x97: {  	_ =	strace $0x8FFFFFFF  }
0x98: {  	s19 =	sld [smem:$0x3FDB];
	_ =	sdelay $0x1  }
0x99: {  	s4 =	simm.s32 $_scs_section_size  }
0x9a: {  	s5 =	simm.s32 $_size__tile_overlayer_lowered;
	s6 =	simm.s32 $_tile_overlayer_lowered  }
0x9b: {  	s22 =	simm.s32 $0x1BFF;
	s21 =	sshll.u32 s6, $0x1;
	s3 =	sadd.s32 s4, s19  }
0x9c: {  	s7 =	simm.s32 $0x0;
	s20 =	sshll.u32 s5, $0x1;
	s5 =	sadd.s32 s21, s3  }
0x9d: {  	[timem:s7], [sflag:s22] =	dma.local [hbm:s5], s20  }
0x9e: {  	_ =	swait.ge [sflag:s22], s20  }
0x9f: {  	s4 =	ssub.s32 $0x0, s20;
	[sflag:s22] =	ssyncset.done $0x0  }
0xa0: {  	[sflag:s22] =	ssyncadd.s32 s4;
	_ =	sdelay $0x1  }
0xa1: {  	s23 =	simm.s32 $0x1B8B  }
0xa2: {  	_ =	swait.ge [sflag:s23], $0x1  }
0xa3: {  	[sflag:s23] =	ssyncset.done $0x0  }
0xa4: {  	s25 =	simm.s32 $0x1B8E;
	s24 =	sld [smem:$0x3FFE];
	[sflag:s23] =	ssyncadd.s32 $0xFFFFFFFF  }
0xa5: {  	s26 =	simm.s32 $execute0_lowered;
	[smem:$0x3FD2] =	sst s25  }
0xa6: {  	s5 =	sshll.u32 s26, $0x1;
	_ =	strace $0x80000049;
	[dreg:$0x1] =	wrdreg $0xFFFFFFFF  }
0xa7: {  	s28 =	simm.s32 $_size_execute0_lowered;
	s3 =	sadd.s32 s3, s5;
	[dreg:$0x0] =	wrdreg $0x0  }
0xa8: {  	s5 =	sshll.u32 s28, $0x1;
	[dreg:$0x2] =	wrdreg s3  }
0xa9: {  	[dreg:$0x3] =	wrdreg s5  }
0xaa: {  	[dreg:$0x4] =	wrdreg $0xC0  }
0xab: {  	_ =	task [dreg:s7], $0x5FFFF  }
0xac: {  	[dreg:$0x1] =	wrdreg $0xFFFFFFFF  }
0xad: {  	[dreg:$0x0] =	wrdreg $0x60  }
0xae: {  	[dreg:$0x2] =	wrdreg s2  }
0xaf: {  	[dreg:$0x3] =	wrdreg s24  }
0xb0: {  	[dreg:$0x4] =	wrdreg $0x9F000  }
0xb1: {  	[dreg:$0x5] =	wrdreg $0x9  }
0xb2: {  	_ =	task.clear_ibuf [dreg:s7], $0x6FFFF;
	_ =	strace $0x90000049  }
0xb3: {  	s29 =	simm.s32 $0x9;
	_ =	strace $0x8000004B  }
0xb4: {  	_ =	swait.ge [sflag:s29], $0x1  }
0xb5: {  	[sflag:s29] =	ssyncadd.s32 $0xFFFFFFFF  }
0xb6: {  	_ =	strace $0x9000004B  }
0xb7: {  	_ =	sfence  }
0xb8: {  	s30 =	sld [smem:$0x0];
	_ =	sdelay $0x2  }
0xb9: {  	s31 =	sshll.u32 s1, $0xD;
	s1 =	sshrl.u32 s1, $0x2  }
0xba: {  	s3 =	sand.u32 $0x4000, s31;
	s1 =	sadd.s32 s1, s30  }
0xbb: {  	s0 =	sor.u32 s3, s0;
	s1 =	sshll.u32 s1, $0x11  }
0xbc: {  	s0 =	sor.u32 s1, s0  }
0xbd: {  	s0 =	sadd.s32 $0x8F2B, s0  }
0xbe: {  	[sflag:s0] =	ssyncadd.remote.s32 $0x1  }
0xbf: {  	_ =	sfence.sel $0xFFFF  }
0xc0: {  	[dreg:$0x0] =	wrdreg $0xFFFFFFFF;
	(pc) =	sbr.abs _section_cstart, $3  }
0xc1: {  	[dreg:$0x1] =	wrdreg $0xFFFFFFFF  }
0xc2: {  	_ =	task.clear_ibuf [dreg:s7], $0x2FFFF;
	_ =	strace $0x9FFFFFFF  }
0xc3: {  	(tm) =	ssettm $0x7FFFFFFF  }
tec
execute0_lowered:
.L_overlay_start_1:
0x0: {  	(tag) =	ssettag $0x1  }
0x1: {  	s0 =	rddreg [dreg:$0x0]  }
0x2: {  	s2 =	rddreg [dreg:$0x1]  }
0x3: {  	s1 =	srdreg.scid;
	s3 =	rddreg [dreg:$0x2]  }
0x4: {  	s7 =	stileid.u32;
	s4 =	simm.s32 $0x0;
	s28 =	simm.s32 $0x2  }
0x5: {  	s29 =	simm.s32 $0x1;
	s30 =	simm.s32 $0x50;
	s31 =	simm.s32 $0x7700  }
0x6: {  	s1 =	sand.u32 $0x1, s1;
	[smem:$0x7FF] =	sst s4;
	s6 =	smul.u32 $0x50000, s7  }
0x7: {  	s13 =	smul.u32 $0x14000, s7;
	s5 =	sshll.u32 s1, $0x4;
	_ =	strace $0x8000004A  }
0x8: {  	s24 =	ssub.s32 $0x2, s1;
	s1 =	smul.u32 $0x140000, s1;
	s5 =	sor.u32 s7, s5  }
0x9: {  	s25 =	sshrl.u32 s24, $0x1;
	s6 =	sshrl.u32 s6, $0x2;
	s15 =	sor.u32 $0x2800, s13  }
0xa: {  	s17 =	sadd.s32 $0x5000, s13;
	s18 =	sadd.s32 $0x7800, s13;
	s19 =	sadd.s32 $0xA000, s13  }
0xb: {  	s20 =	sadd.s32 $0xC800, s13;
	s21 =	sadd.s32 $0xF000, s13;
	s22 =	sadd.s32 $0x11800, s13  }
0xc: {  	s5 =	smul.u32 $0x4E2, s5;
	s23 =	ssub.s32 s24, s25;
	s7 =	sadd.s32 s17, s3  }
0xd: {  	s8 =	sadd.s32 s18, s3;
	s9 =	sadd.s32 s19, s3;
	s10 =	sadd.s32 s20, s3  }
0xe: {  	s11 =	sadd.s32 s21, s3;
	s12 =	sadd.s32 s22, s3;
	s16 =	sadd.s32 s13, s1  }
0xf: {  	s24 =	sadd.s32 s1, s15;
	s17 =	sadd.s32 s1, s17;
	s18 =	sadd.s32 s1, s18  }
0x10: {  	s19 =	sadd.s32 s1, s19;
	s20 =	sadd.s32 s1, s20;
	s21 =	sadd.s32 s1, s21  }
0x11: {  	s1 =	sadd.s32 s1, s22;
	s16 =	sshrl.u32 s16, $0x3;
	s17 =	sshrl.u32 s17, $0x3  }
0x12: {  	s18 =	sshrl.u32 s18, $0x3;
	s19 =	sshrl.u32 s19, $0x3;
	s20 =	sshrl.u32 s20, $0x3  }
0x13: {  	s21 =	sshrl.u32 s21, $0x3;
	s1 =	sshrl.u32 s1, $0x3;
	s23 =	smax.u32 s23, $0x1  }
0x14: {  	s14 =	sadd.s32 s5, s2;
	s2 =	sadd.s32 $0x16200, s2;
	s5 =	sadd.s32 s6, s3  }
0x15: {  	s6 =	sadd.s32 s15, s3;
	s26 =	sadd.s32 $0xC400, s14;
	s15 =	sadd.s32 $0x2600, s14  }
0x16: {  	s25 =	sadd.s32 s2, s16;
	s17 =	sadd.s32 s2, s17;
	s18 =	sadd.s32 s2, s18  }
0x17: {  	s19 =	sadd.s32 s2, s19;
	s20 =	sadd.s32 s2, s20;
	[dreg:$0x4] =	wrdreg s26  }
0x18: {  	s21 =	sadd.s32 s2, s21;
	s22 =	sadd.s32 s2, s1;
	[dreg:$0x5] =	wrdreg s15  }
0x19: {  	[dreg:$0x6] =	wrdreg s25;
	s26 =	sshrl.u32 s24, $0x3;
	s24 =	simm.s32 $0x4F00  }
0x1a: {  	v0 =	vimm.f32 $0.0e+00;
	s25 =	simm.s32 $0x0;
	s16 =	sadd.s32 s2, s26;
	s26 =	simm.s32 $0x3  }
.LBB2_1:
0x1b: {  	s1 =	simm.s32 $0x70;
	s2 =	simm.s32 $0x3C0  }
.LBB2_2:
0x1c: {  	p0 =	sne.s32 s2, $0x9FC0;
	[tilespmem:s1+$0x4F00] =	vst v0  }
0x1d: {  	[tilespmem:s1+$0x4E90] =	vst v0  }
0x1e: {  	[tilespmem:s1+$0x4EA0] =	vst v0  }
.Ltmp0:
0x1f: {  	[tilespmem:s1+$0x4EB0] =	vst v0;
	(pc) =	sbr.rel @p0 .LBB2_2-.Ltmp0, $4  }
0x20: {  	[tilespmem:s1+$0x4EC0] =	vst v0  }
0x21: {  	[tilespmem:s1+$0x4ED0] =	vst v0  }
0x22: {  	[tilespmem:s1+$0x4EE0] =	vst v0  }
0x23: {  	[tilespmem:s1+$0x4EF0] =	vst v0;
	s1 =	sshra.s32 s2, $0x2;
	s2 =	sadd.s32 $0x200, s2  }
0x24: {  	[tilespmem:s1+$0x4F00] =	vst v0  }
0x25: {  	[tilespmem:s1+$0x4E90] =	vst v0  }
0x26: {  	[tilespmem:s1+$0x4EA0] =	vst v0  }
0x27: {  	[tilespmem:s1+$0x4EB0] =	vst v0  }
0x28: {  	[tilespmem:s1+$0x4EC0] =	vst v0  }
0x29: {  	[tilespmem:s1+$0x4ED0] =	vst v0  }
0x2a: {  	[tilespmem:s1+$0x4EE0] =	vst v0  }
0x2b: {  	[tilespmem:s1+$0x4EF0] =	vst v0  }
0x2c: {  	[spmem:s5] =	stream.linear.scatter [tilespmem:s24], [sflag:$0x1], $0x2800, $0x38;
	[tilespmem:$0x1DF00] =	vst v63  }
0x2d: {  	_ = 	snop  }
0x2e: {  	[spmem:s6] =	stream.linear.scatter [tilespmem:s24], [sflag:$0x1], $0x2800, $0x38;
	[tilespmem:$0x1DF00] =	vst v63  }
0x2f: {  	_ = 	snop  }
0x30: {  	[spmem:s7] =	stream.linear.scatter [tilespmem:s24], [sflag:$0x1], $0x2800, $0x38;
	[tilespmem:$0x1DF00] =	vst v63  }
0x31: {  	_ = 	snop  }
0x32: {  	[spmem:s8] =	stream.linear.scatter [tilespmem:s24], [sflag:$0x1], $0x2800, $0x38;
	[tilespmem:$0x1DF00] =	vst v63  }
0x33: {  	_ = 	snop  }
0x34: {  	[spmem:s9] =	stream.linear.scatter [tilespmem:s24], [sflag:$0x1], $0x2800, $0x38;
	[tilespmem:$0x1DF00] =	vst v63  }
0x35: {  	_ = 	snop  }
0x36: {  	[spmem:s10] =	stream.linear.scatter [tilespmem:s24], [sflag:$0x1], $0x2800, $0x38;
	[tilespmem:$0x1DF00] =	vst v63  }
0x37: {  	_ = 	snop  }
0x38: {  	[spmem:s11] =	stream.linear.scatter [tilespmem:s24], [sflag:$0x1], $0x2800, $0x38;
	[tilespmem:$0x1DF00] =	vst v63  }
0x39: {  	_ = 	snop  }
0x3a: {  	[spmem:s12] =	stream.linear.scatter [tilespmem:s24], [sflag:$0x1], $0x2800, $0x38;
	[tilespmem:$0x1DF00] =	vst v63  }
0x3b: {  	s14 =	simm.s32 $0x0;
	s2 =	rddreg [dreg:$0x4]  }
0x3c: {  	[tilespmem:s14], [sflag:$0x2] =	stream.linear.gather [hbm4b:s2+s14], $0x2710, $0x38;
	[tilespmem:$0x1DF00] =	vst v63  }
0x3d: {  	s15 =	rddreg [dreg:$0x5];
	s13 =	simm.s32 $0x2780  }
0x3e: {  	[tilespmem:s13], [sflag:$0x3] =	stream.linear.gather [hbm4b:s15+s14], $0x2710, $0x38;
	[tilespmem:$0x1DF00] =	vst v63  }
0x3f: {  	_ =	swait.ge [sflag:s26], $0x2710  }
0x40: {  	[sflag:s26] =	ssyncset.done $0x0  }
0x41: {  	[sflag:s26] =	ssyncadd.s32 $0xFFFFD8F0  }
0x42: {  	_ =	swait.ge [sflag:s28], $0x2710  }
0x43: {  	[sflag:s28] =	ssyncset.done $0x0  }
0x44: {  	[sflag:s28] =	ssyncadd.s32 $0xFFFFD8F0  }
0x45: {  	_ =	swait.ge [sflag:s29], $0x2800  }
0x46: {  	[sflag:s29] =	ssyncset.done $0x0  }
0x47: {  	[sflag:s29] =	ssyncadd.s32 $0xFFFFD800  }
0x48: {  	_ =	swait.ge [sflag:s29], $0x2800  }
0x49: {  	[sflag:s29] =	ssyncset.done $0x0  }
0x4a: {  	[sflag:s29] =	ssyncadd.s32 $0xFFFFD800  }
0x4b: {  	_ =	swait.ge [sflag:s29], $0x2800  }
0x4c: {  	[sflag:s29] =	ssyncset.done $0x0  }
0x4d: {  	[sflag:s29] =	ssyncadd.s32 $0xFFFFD800  }
0x4e: {  	_ =	swait.ge [sflag:s29], $0x2800  }
0x4f: {  	[sflag:s29] =	ssyncset.done $0x0  }
0x50: {  	[sflag:s29] =	ssyncadd.s32 $0xFFFFD800  }
0x51: {  	_ =	swait.ge [sflag:s29], $0x2800  }
0x52: {  	[sflag:s29] =	ssyncset.done $0x0  }
0x53: {  	[sflag:s29] =	ssyncadd.s32 $0xFFFFD800  }
0x54: {  	_ =	swait.ge [sflag:s29], $0x2800  }
0x55: {  	[sflag:s29] =	ssyncset.done $0x0  }
0x56: {  	[sflag:s29] =	ssyncadd.s32 $0xFFFFD800  }
0x57: {  	_ =	swait.ge [sflag:s29], $0x2800  }
0x58: {  	[sflag:s29] =	ssyncset.done $0x0  }
0x59: {  	[sflag:s29] =	ssyncadd.s32 $0xFFFFD800  }
0x5a: {  	_ =	swait.ge [sflag:s29], $0x2800  }
0x5b: {  	[sflag:s29] =	ssyncset.done $0x0  }
0x5c: {  	[sflag:s29] =	ssyncadd.s32 $0xFFFFD800  }
0x5d: {  	[bflag:$0x0] =	sbarrier.arrive $0xFFFF  }
0x5e: {  	[tilespmem:s24], [sflag:$0x1] =	stream.indirect.gather [hbm4b:s0+s30], $0x80, s14, s30, $0xb8;
	[tilespmem:$0x1DF00] =	vst v63  }
0x5f: {  	s2 =	simm.s32 $0x50  }
0x60: {  	[tilespmem:s31], [sflag:$0x2] =	stream.indirect.gather [hbm4b:s0+s30], $0x80, s2, s30, $0xb8;
	[tilespmem:$0x1DF00] =	vst v63  }
0x61: {  	_ =	swait.ge [sflag:s29], $0x2800  }
0x62: {  	[sflag:s29] =	ssyncset.done $0x0  }
0x63: {  	s13 =	simm.s32 $0x2780;
	[sflag:s29] =	ssyncadd.s32 $0xFFFFD800  }
0x64: {  	[spmem:s3] =	stream.indirect.scatter.add.f32 [tilespmem:s24], [sflag:$0x3], $0x80, s13, s30, $0xb8;
	[tilespmem:$0x1DF00] =	vst v63  }
0x65: {  	_ =	swait.ge [sflag:s26], $0x2800  }
0x66: {  	[sflag:s26] =	ssyncset.done $0x0  }
0x67: {  	s14 =	simm.s32 $0xA0;
	[sflag:s26] =	ssyncadd.s32 $0xFFFFD800  }
0x68: {  	[tilespmem:s24], [sflag:$0x1] =	stream.indirect.gather [hbm4b:s0+s30], $0x80, s14, s30, $0xb8;
	[tilespmem:$0x1DF00] =	vst v63  }
0x69: {  	_ =	swait.ge [sflag:s28], $0x2800  }
0x6a: {  	[sflag:s28] =	ssyncset.done $0x0  }
0x6b: {  	s15 =	simm.s32 $0x27D0;
	[sflag:s28] =	ssyncadd.s32 $0xFFFFD800  }
0x6c: {  	[spmem:s3] =	stream.indirect.scatter.add.f32 [tilespmem:s31], [sflag:$0x3], $0x80, s15, s30, $0xb8;
	[tilespmem:$0x1DF00] =	vst v63  }
0x6d: {  	_ =	swait.ge [sflag:s26], $0x2800  }
0x6e: {  	s1 =	simm.s32 $0xA0;
	s2 =	simm.s32 $0x500;
	[sflag:s26] =	ssyncset.done $0x0  }
.LBB2_4:
0x6f: {  	s13 =	sadd.s32 $0x50, s1  }
0x70: {  	[sflag:s26] =	ssyncadd.s32 $0xFFFFD800;
	s14 =	smov.u32 s2;
	s15 =	sadd.s32 $0x280, s2  }
0x71: {  	[tilespmem:s31], [sflag:$0x2] =	stream.indirect.gather [hbm4b:s0+s30], $0x80, s13, s30, $0xb8;
	[tilespmem:$0x1DF00] =	vst v63  }
0x72: {  	p0 =	sne.s32 s2, $0x9600;
	_ =	swait.ge [sflag:s29], $0x2800  }
0x73: {  	[sflag:s29] =	ssyncset.done $0x0  }
0x74: {  	s2 =	sadd.s32 $0x2780, s1;
	[sflag:s29] =	ssyncadd.s32 $0xFFFFD800  }
0x75: {  	[spmem:s3] =	stream.indirect.scatter.add.f32 [tilespmem:s24], [sflag:$0x3], $0x80, s2, s30, $0xb8;
	[tilespmem:$0x1DF00] =	vst v63  }
0x76: {  	_ =	swait.ge [sflag:s26], $0x2800  }
0x77: {  	[sflag:s26] =	ssyncset.done $0x0  }
0x78: {  	s2 =	sadd.s32 $0xA0, s1;
	[sflag:s26] =	ssyncadd.s32 $0xFFFFD800  }
0x79: {  	[tilespmem:s24], [sflag:$0x1] =	stream.indirect.gather [hbm4b:s0+s30], $0x80, s2, s30, $0xb8;
	[tilespmem:$0x1DF00] =	vst v63  }
0x7a: {  	_ =	swait.ge [sflag:s28], $0x2800  }
.Ltmp1:
0x7b: {  	[sflag:s28] =	ssyncset.done $0x0;
	(pc) =	sbr.rel @p0 .LBB2_4-.Ltmp1, $4  }
0x7c: {  	s1 =	sadd.s32 $0x27D0, s1;
	[sflag:s28] =	ssyncadd.s32 $0xFFFFD800  }
0x7d: {  	[spmem:s3] =	stream.indirect.scatter.add.f32 [tilespmem:s31], [sflag:$0x3], $0x80, s1, s30, $0xb8;
	[tilespmem:$0x1DF00] =	vst v63  }
0x7e: {  	_ =	swait.ge [sflag:s26], $0x2800  }
0x7f: {  	s2 =	smov.u32 s15;
	s1 =	sshra.s32 s14, $0x2;
	[sflag:s26] =	ssyncset.done $0x0  }
0x80: {  	s2 =	sadd.s32 $0x50, s1;
	[sflag:s26] =	ssyncadd.s32 $0xFFFFD800  }
0x81: {  	[tilespmem:s31], [sflag:$0x2] =	stream.indirect.gather [hbm4b:s0+s30], $0x80, s2, s30, $0xb8;
	[tilespmem:$0x1DF00] =	vst v63  }
0x82: {  	_ =	swait.ge [sflag:s29], $0x2800  }
0x83: {  	[sflag:s29] =	ssyncset.done $0x0  }
0x84: {  	s14 =	sadd.s32 $0x2780, s1;
	[sflag:s29] =	ssyncadd.s32 $0xFFFFD800  }
0x85: {  	[spmem:s3] =	stream.indirect.scatter.add.f32 [tilespmem:s24], [sflag:$0x3], $0x80, s14, s30, $0xb8;
	[tilespmem:$0x1DF00] =	vst v63  }
0x86: {  	_ =	swait.ge [sflag:s26], $0x2800  }
0x87: {  	[sflag:s26] =	ssyncset.done $0x0  }
0x88: {  	s15 =	sadd.s32 $0xA0, s1;
	[sflag:s26] =	ssyncadd.s32 $0xFFFFD800  }
0x89: {  	[tilespmem:s24], [sflag:$0x1] =	stream.indirect.gather [hbm4b:s0+s30], $0x80, s15, s30, $0xb8;
	[tilespmem:$0x1DF00] =	vst v63  }
0x8a: {  	_ =	swait.ge [sflag:s28], $0x2800  }
0x8b: {  	[sflag:s28] =	ssyncset.done $0x0  }
0x8c: {  	s13 =	sadd.s32 $0x27D0, s1;
	[sflag:s28] =	ssyncadd.s32 $0xFFFFD800  }
0x8d: {  	[spmem:s3] =	stream.indirect.scatter.add.f32 [tilespmem:s31], [sflag:$0x3], $0x80, s13, s30, $0xb8;
	[tilespmem:$0x1DF00] =	vst v63  }
0x8e: {  	_ =	swait.ge [sflag:s26], $0x2800  }
0x8f: {  	[sflag:s26] =	ssyncset.done $0x0  }
0x90: {  	s14 =	simm.s32 $0x2670;
	[sflag:s26] =	ssyncadd.s32 $0xFFFFD800  }
0x91: {  	[tilespmem:s31], [sflag:$0x2] =	stream.indirect.gather [hbm4b:s0+s30], $0x80, s14, s30, $0xb8;
	[tilespmem:$0x1DF00] =	vst v63  }
0x92: {  	_ =	swait.ge [sflag:s29], $0x2800  }
0x93: {  	[sflag:s29] =	ssyncset.done $0x0  }
0x94: {  	s15 =	simm.s32 $0x4DA0;
	[sflag:s29] =	ssyncadd.s32 $0xFFFFD800  }
0x95: {  	[spmem:s3] =	stream.indirect.scatter.add.f32 [tilespmem:s24], [sflag:$0x3], $0x80, s15, s30, $0xb8;
	[tilespmem:$0x1DF00] =	vst v63  }
0x96: {  	_ =	swait.ge [sflag:s26], $0x2800  }
0x97: {  	[sflag:s26] =	ssyncset.done $0x0  }
0x98: {  	s2 =	simm.s32 $0x26C0;
	[sflag:s26] =	ssyncadd.s32 $0xFFFFD800  }
0x99: {  	[tilespmem:s24], [sflag:$0x1] =	stream.indirect.gather [hbm4b:s0+s30], $0x80, s2, s30, $0xb8;
	[tilespmem:$0x1DF00] =	vst v63  }
0x9a: {  	_ =	swait.ge [sflag:s28], $0x2800  }
0x9b: {  	[sflag:s28] =	ssyncset.done $0x0  }
0x9c: {  	s13 =	simm.s32 $0x4DF0;
	[sflag:s28] =	ssyncadd.s32 $0xFFFFD800  }
0x9d: {  	[spmem:s3] =	stream.indirect.scatter.add.f32 [tilespmem:s31], [sflag:$0x3], $0x80, s13, s30, $0xb8;
	[tilespmem:$0x1DF00] =	vst v63  }
0x9e: {  	_ =	swait.ge [sflag:s26], $0x2800  }
0x9f: {  	[sflag:s26] =	ssyncset.done $0x0  }
0xa0: {  	[sflag:s26] =	ssyncadd.s32 $0xFFFFD800  }
0xa1: {  	_ =	swait.ge [sflag:s29], $0x2800  }
0xa2: {  	[sflag:s29] =	ssyncset.done $0x0  }
0xa3: {  	s14 =	simm.s32 $0x4E40;
	[sflag:s29] =	ssyncadd.s32 $0xFFFFD800  }
0xa4: {  	[spmem:s3] =	stream.indirect.scatter.add.f32 [tilespmem:s24], [sflag:$0x3], $0x80, s14, s30, $0xb8;
	[tilespmem:$0x1DF00] =	vst v63  }
0xa5: {  	_ =	swait.ge [sflag:s26], $0x2800  }
0xa6: {  	[sflag:s26] =	ssyncset.done $0x0  }
0xa7: {  	[sflag:s26] =	ssyncadd.s32 $0xFFFFD800  }
0xa8: {  	[bflag:$0x0] =	sbarrier.arrive $0xFFFF  }
0xa9: {  	[tilespmem:s24], [sflag:$0x2] =	stream.linear.gather [spmem:s5], $0x2800, $0x38;
	[tilespmem:$0x1DF00] =	vst v63  }
0xaa: {  	_ = 	snop  }
0xab: {  	[tilespmem:s31], [sflag:$0x2] =	stream.linear.gather [spmem:s6], $0x2800, $0x38;
	[tilespmem:$0x1DF00] =	vst v63  }
0xac: {  	_ =	swait.ge [sflag:s28], $0x2800  }
0xad: {  	[sflag:s28] =	ssyncset.done $0x0  }
0xae: {  	s15 =	rddreg [dreg:$0x6];
	[sflag:s28] =	ssyncadd.s32 $0xFFFFD800  }
0xaf: {  	[hbm4b:s15+s4] =	stream.linear.scatter [tilespmem:s24], [sflag:$0x1], $0x2800, $0x38;
	[tilespmem:$0x1DF00] =	vst v63  }
0xb0: {  	_ = 	snop  }
0xb1: {  	[tilespmem:s24], [sflag:$0x2] =	stream.linear.gather [spmem:s7], $0x2800, $0x38;
	[tilespmem:$0x1DF00] =	vst v63  }
0xb2: {  	_ =	swait.ge [sflag:s28], $0x2800  }
0xb3: {  	[sflag:s28] =	ssyncset.done $0x0  }
0xb4: {  	[sflag:s28] =	ssyncadd.s32 $0xFFFFD800  }
0xb5: {  	[hbm4b:s16+s4] =	stream.linear.scatter [tilespmem:s31], [sflag:$0x1], $0x2800, $0x38;
	[tilespmem:$0x1DF00] =	vst v63  }
0xb6: {  	_ =	swait.ge [sflag:s29], $0x2800  }
0xb7: {  	[sflag:s29] =	ssyncset.done $0x0  }
0xb8: {  	[sflag:s29] =	ssyncadd.s32 $0xFFFFD800  }
0xb9: {  	[tilespmem:s31], [sflag:$0x2] =	stream.linear.gather [spmem:s8], $0x2800, $0x38;
	[tilespmem:$0x1DF00] =	vst v63  }
0xba: {  	_ =	swait.ge [sflag:s28], $0x2800  }
0xbb: {  	[sflag:s28] =	ssyncset.done $0x0  }
0xbc: {  	[sflag:s28] =	ssyncadd.s32 $0xFFFFD800  }
0xbd: {  	[hbm4b:s17+s4] =	stream.linear.scatter [tilespmem:s24], [sflag:$0x1], $0x2800, $0x38;
	[tilespmem:$0x1DF00] =	vst v63  }
0xbe: {  	_ =	swait.ge [sflag:s29], $0x2800  }
0xbf: {  	[sflag:s29] =	ssyncset.done $0x0  }
0xc0: {  	[sflag:s29] =	ssyncadd.s32 $0xFFFFD800  }
0xc1: {  	[tilespmem:s24], [sflag:$0x2] =	stream.linear.gather [spmem:s9], $0x2800, $0x38;
	[tilespmem:$0x1DF00] =	vst v63  }
0xc2: {  	_ =	swait.ge [sflag:s28], $0x2800  }
0xc3: {  	[sflag:s28] =	ssyncset.done $0x0  }
0xc4: {  	[sflag:s28] =	ssyncadd.s32 $0xFFFFD800  }
0xc5: {  	[hbm4b:s18+s4] =	stream.linear.scatter [tilespmem:s31], [sflag:$0x1], $0x2800, $0x38;
	[tilespmem:$0x1DF00] =	vst v63  }
0xc6: {  	_ =	swait.ge [sflag:s29], $0x2800  }
0xc7: {  	[sflag:s29] =	ssyncset.done $0x0  }
0xc8: {  	[sflag:s29] =	ssyncadd.s32 $0xFFFFD800  }
0xc9: {  	[tilespmem:s31], [sflag:$0x2] =	stream.linear.gather [spmem:s10], $0x2800, $0x38;
	[tilespmem:$0x1DF00] =	vst v63  }
0xca: {  	_ =	swait.ge [sflag:s28], $0x2800  }
0xcb: {  	[sflag:s28] =	ssyncset.done $0x0  }
0xcc: {  	[sflag:s28] =	ssyncadd.s32 $0xFFFFD800  }
0xcd: {  	[hbm4b:s19+s4] =	stream.linear.scatter [tilespmem:s24], [sflag:$0x1], $0x2800, $0x38;
	[tilespmem:$0x1DF00] =	vst v63  }
0xce: {  	_ =	swait.ge [sflag:s29], $0x2800  }
0xcf: {  	[sflag:s29] =	ssyncset.done $0x0  }
0xd0: {  	[sflag:s29] =	ssyncadd.s32 $0xFFFFD800  }
0xd1: {  	[tilespmem:s24], [sflag:$0x2] =	stream.linear.gather [spmem:s11], $0x2800, $0x38;
	[tilespmem:$0x1DF00] =	vst v63  }
0xd2: {  	_ =	swait.ge [sflag:s28], $0x2800  }
0xd3: {  	[sflag:s28] =	ssyncset.done $0x0  }
0xd4: {  	[sflag:s28] =	ssyncadd.s32 $0xFFFFD800  }
0xd5: {  	[hbm4b:s20+s4] =	stream.linear.scatter [tilespmem:s31], [sflag:$0x1], $0x2800, $0x38;
	[tilespmem:$0x1DF00] =	vst v63  }
0xd6: {  	_ =	swait.ge [sflag:s29], $0x2800  }
0xd7: {  	[sflag:s29] =	ssyncset.done $0x0  }
0xd8: {  	[sflag:s29] =	ssyncadd.s32 $0xFFFFD800  }
0xd9: {  	[tilespmem:s31], [sflag:$0x2] =	stream.linear.gather [spmem:s12], $0x2800, $0x38;
	[tilespmem:$0x1DF00] =	vst v63  }
0xda: {  	_ =	swait.ge [sflag:s28], $0x2800  }
0xdb: {  	[sflag:s28] =	ssyncset.done $0x0  }
0xdc: {  	[sflag:s28] =	ssyncadd.s32 $0xFFFFD800  }
0xdd: {  	[hbm4b:s21+s4] =	stream.linear.scatter [tilespmem:s24], [sflag:$0x1], $0x2800, $0x38;
	[tilespmem:$0x1DF00] =	vst v63  }
0xde: {  	_ =	swait.ge [sflag:s29], $0x2800  }
0xdf: {  	[sflag:s29] =	ssyncset.done $0x0  }
0xe0: {  	[sflag:s29] =	ssyncadd.s32 $0xFFFFD800  }
0xe1: {  	_ =	swait.ge [sflag:s28], $0x2800  }
0xe2: {  	[sflag:s28] =	ssyncset.done $0x0  }
0xe3: {  	s25 =	sadd.s32 $0x1, s25;
	[sflag:s28] =	ssyncadd.s32 $0xFFFFD800  }
0xe4: {  	[hbm4b:s22+s4] =	stream.linear.scatter [tilespmem:s31], [sflag:$0x1], $0x2800, $0x38;
	[tilespmem:$0x1DF00] =	vst v63  }
0xe5: {  	p0 =	sne.s32 s25, s23;
	_ =	swait.ge [sflag:s29], $0x2800  }
.Ltmp2:
0xe6: {  	[sflag:s29] =	ssyncset.done $0x0;
	(pc) =	sbr.rel @p0 .LBB2_1-.Ltmp2, $4  }
0xe7: {  	[sflag:s29] =	ssyncadd.s32 $0xFFFFD800  }
0xe8: {  	_ =	swait.ge [sflag:s29], $0x2800  }
0xe9: {  	[sflag:s29] =	ssyncset.done $0x0  }
0xea: {  	[sflag:s29] =	ssyncadd.s32 $0xFFFFD800  }
0xeb: {  	_ =	sfence.sel $0x180000  }
0xec: {  	[bflag:$0x0] =	sbarrier.arrive $0xFFFF  }
0xed: {  	_ =	strace $0x9000004A  }
0xee: {  	s0 =	stileid.u32;
	[bflag:$0x2] =	sbarrier.arrive $0xFFFF  }
0xef: {  	p0 =	sne.s32 s0, $0x0;
	s0 =	rddreg [dreg:$0x3]  }
0xf0: {  	s0 =	sadd.s32 @!p0 $0x100000, s0  }
0xf1: {  	[sflag:s0] =	ssyncadd.tile.s32 @!p0 $0x1;
	_ =	shalt  }
.Lfunc_end2:
_tile_overlayer_lowered:
.L_overlay_start_2:
0xf2: {  	(tag) =	ssettag $0x2  }
0xf3: {  	s0 =	rddreg [dreg:$0x0];
	s2 =	stileid.u32  }
0xf4: {  	s1 =	rddreg [dreg:$0x1];
	p0 =	sne.s32 s2, $0x0  }
0xf5: {  	s3 =	rddreg [dreg:$0x2];
	[bflag:$0x3] =	sbarrier.arrive $0xFFFF;
	s2 =	simm.s32 @!p0 $0x1C03  }
0xf6: {  	[timem:s3], [sflag:s2] =	dma.local @!p0 [hbm:s0], s1  }
0xf7: {  	s0 =	simm.s32 @!p0 $0x3  }
0xf8: {  	_ =	swait.ge @!p0 [sflag:s0], s1  }
0xf9: {  	s1 =	ssub.s32 @!p0 $0x0, s1;
	[sflag:s0] =	ssyncset.done @!p0 $0x0  }
0xfa: {  	[sflag:s0] =	ssyncadd.s32 @!p0 s1  }
0xfb: {  	[bflag:$0x3] =	sbarrier.arrive $0xFFFF  }
0xfc: {  	_ =	shalt  }

// kernel: kernel.8.cloned.1.call-start
scs
__scs_entry_jumppad:
0x0: {  	(pc) =	sbr.rel $0x88, $3  }
0x1: {  	(tag) =	ssettag $0x0;
	lr =	simm.s32 $0x1  }
0x2: {  	[smem:$0x3F9C] =	sst lr;
	_ =	strace $0xD0000000  }
0x3: {  	_ = 	snop  }
0x4: {  	_ = 	snop  }
0x5: {  	_ = 	snop  }
0x6: {  	_ = 	snop  }
0x7: {  	_ = 	snop  }
__scs_overlays_trampoline_lowered:
0x8: {  	[smem:$0x3FAB] =	sst s0  }
0x9: {  	[smem:$0x3FAC] =	sst s1  }
0xa: {  	[smem:$0x3FAD] =	sst s2  }
0xb: {  	[smem:$0x3FAE] =	sst s3  }
0xc: {  	[smem:$0x3FAF] =	sst s4  }
0xd: {  	[smem:$0x3FB0] =	sst s5  }
0xe: {  	[smem:$0x3FB1] =	sst s6  }
0xf: {  	[smem:$0x3FB2] =	sst s7  }
0x10: {  	[smem:$0x3FB3] =	sst s8  }
0x11: {  	[smem:$0x3FB4] =	sst s9;
	s0 =	simm.s32 @!p0 $0x0  }
0x12: {  	s1 =	sld [smem:$0x3F9A];
	s0 =	simm.s32 @p0 $0x1  }
0x13: {  	[smem:$0x3FB5] =	sst s0;
	s0 =	simm.s32 @!p1 $0x0  }
0x14: {  	s2 =	sld [smem:$0x3F99];
	s0 =	simm.s32 @p1 $0x1  }
0x15: {  	[smem:$0x3FB6] =	sst s0;
	s0 =	simm.s32 @!p2 $0x0  }
0x16: {  	s3 =	sld [smem:$0x3FDB];
	s0 =	simm.s32 @p2 $0x1  }
0x17: {  	s4 =	simm.s32 $0x1BF5;
	[smem:$0x3FB8] =	sst s0  }
0x18: {  	s0 =	sld [smem:$0x3F9B];
	_ =	swait.ge [sflag:s4], $0x0  }
0x19: {  	s7 =	sld [smem:$0x3F9C]  }
0x1a: {  	s8 =	sadd.s32 $0xFFFFE003, lr  }
0x1b: {  	s9 =	sadd.s32 $0xFFFFFEF7, lr;
	s5 =	simm.s32 $0xFFFFFFFF;
	p2 =	slt.u32 s8, $0xFFFFF086  }
0x1c: {  	p1 =	slt.u32 s9, $0xF7A;
	s5 =	simm.s32 @!p2 $0x0  }
0x1d: {  	s5 =	simm.s32 @p1 $0x1;
	p0 =	seq.s32 s7, s2  }
0x1e: {  	s7 =	smul.u32 @!p0 $0xF7A, s2;
	p2 =	seq.s32 @!p0 s5, $0x0  }
0x1f: {  	s9 =	smul.u32 $0xF7A, s1;
	s8 =	simm.s32 @!p0 $0x1BF5;
	p2 =	por !p2, p0  }
0x20: {  	[sflag:s8] =	ssyncset.s32 @!p0 $0xFFFFF086;
	s6 =	sadd.s32 @!p0 s3, s7;
	s7 =	simm.s32 @!p0 $0x108  }
0x21: {  	s3 =	sadd.s32 s3, s9;
	s6 =	sadd.s32 @!p0 $0x88, s6;
	s7 =	simm.s32 @p2 $0x1082  }
0x22: {  	[simem:s7], [sflag:s8] =	dma.local @!p0 [hbm:s6], $0xF7A  }
0x23: {  	s9 =	sor.u32 $0xD0000000, s2;
	s6 =	simm.s32 $0x108;
	_ =	swait.ge @!p0 [sflag:s8], $0x0  }
0x24: {  	s3 =	sadd.s32 $0x88, s3;
	s6 =	simm.s32 @!p1 $0x1082;
	[sflag:s4] =	ssyncset.s32 $0xFFFFF086  }
0x25: {  	[simem:s6], [sflag:s4] =	dma.local [hbm:s3], $0xF7A  }
0x26: {  	[smem:$0x3F9C] =	sst s1;
	(tag) =	ssettag s2;
	_ =	strace s9  }
0x27: {  	s1 =	sld [smem:$0x3FAC]  }
0x28: {  	s2 =	sld [smem:$0x3FAD]  }
0x29: {  	s4 =	sld [smem:$0x3FAF]  }
0x2a: {  	p0 =	seq.s32 s5, $0x0;
	s5 =	sld [smem:$0x3FB0]  }
0x2b: {  	s6 =	sld [smem:$0x3FB1]  }
0x2c: {  	s7 =	sld [smem:$0x3FB2]  }
0x2d: {  	s3 =	simm.s32 $0x108;
	s8 =	sld [smem:$0x3FB3]  }
0x2e: {  	s3 =	simm.s32 @!p0 $0x1082;
	s9 =	sld [smem:$0x3FB4]  }
0x2f: {  	lr =	sadd.s32 s0, s3;
	s0 =	sld [smem:$0x3FAB]  }
0x30: {  	s3 =	sld [smem:$0x3FAE]  }
0x31: {  	[smem:$0x3FB7] =	sst s10  }
0x32: {  	s10 =	sld [smem:$0x3FB5];
	_ =	sdelay $0x3  }
0x33: {  	p0 =	seq.s32 s10, $0x1;
	s10 =	sld [smem:$0x3FB7];
	_ =	sdelay $0x3  }
0x34: {  	[smem:$0x3FB7] =	sst s10  }
0x35: {  	s10 =	sld [smem:$0x3FB6];
	_ =	sdelay $0x3  }
0x36: {  	p1 =	seq.s32 s10, $0x1;
	s10 =	sld [smem:$0x3FB7];
	_ =	sdelay $0x3  }
0x37: {  	[smem:$0x3FB7] =	sst s10  }
0x38: {  	s10 =	sld [smem:$0x3FB8]  }
0x39: {  	_ = 	snop;
	(pc) =	sbr.ind lr, $3  }
0x3a: {  	_ = 	snop  }
0x3b: {  	_ = 	snop  }
0x3c: {  	p2 =	seq.s32 s10, $0x1;
	s10 =	sld [smem:$0x3FB7]  }
0x3d: {  	_ =	shalt  }
0x3e: {  	_ =	shalt  }
0x3f: {  	_ =	shalt  }
0x40: {  	_ =	shalt  }
0x41: {  	_ =	shalt  }
0x42: {  	_ =	shalt  }
0x43: {  	_ =	shalt  }
0x44: {  	_ =	shalt  }
0x45: {  	_ =	shalt  }
0x46: {  	_ =	shalt  }
0x47: {  	_ =	shalt  }
0x48: {  	_ =	shalt  }
0x49: {  	_ =	shalt  }
0x4a: {  	_ =	shalt  }
0x4b: {  	_ =	shalt  }
0x4c: {  	_ =	shalt  }
0x4d: {  	_ =	shalt  }
0x4e: {  	_ =	shalt  }
0x4f: {  	_ =	shalt  }
0x50: {  	_ =	shalt  }
0x51: {  	_ =	shalt  }
0x52: {  	_ =	shalt  }
0x53: {  	_ =	shalt  }
0x54: {  	_ =	shalt  }
0x55: {  	_ =	shalt  }
0x56: {  	_ =	shalt  }
0x57: {  	_ =	shalt  }
0x58: {  	_ =	shalt  }
0x59: {  	_ =	shalt  }
0x5a: {  	_ =	shalt  }
0x5b: {  	_ =	shalt  }
0x5c: {  	_ =	shalt  }
0x5d: {  	_ =	shalt  }
0x5e: {  	_ =	shalt  }
0x5f: {  	_ =	shalt  }
0x60: {  	_ =	shalt  }
0x61: {  	_ =	shalt  }
0x62: {  	_ =	shalt  }
0x63: {  	_ =	shalt  }
0x64: {  	_ =	shalt  }
0x65: {  	_ =	shalt  }
0x66: {  	_ =	shalt  }
0x67: {  	_ =	shalt  }
0x68: {  	_ =	shalt  }
0x69: {  	_ =	shalt  }
0x6a: {  	_ =	shalt  }
0x6b: {  	_ =	shalt  }
0x6c: {  	_ =	shalt  }
0x6d: {  	_ =	shalt  }
0x6e: {  	_ =	shalt  }
0x6f: {  	_ =	shalt  }
0x70: {  	_ =	shalt  }
0x71: {  	_ =	shalt  }
0x72: {  	_ =	shalt  }
0x73: {  	_ =	shalt  }
0x74: {  	_ =	shalt  }
0x75: {  	_ =	shalt  }
0x76: {  	_ =	shalt  }
0x77: {  	_ =	shalt  }
0x78: {  	_ =	shalt  }
0x79: {  	_ =	shalt  }
0x7a: {  	_ =	shalt  }
0x7b: {  	_ =	shalt  }
0x7c: {  	_ =	shalt  }
0x7d: {  	_ =	shalt  }
0x7e: {  	_ =	shalt  }
0x7f: {  	_ =	shalt  }
0x80: {  	_ =	shalt  }
0x81: {  	_ =	shalt  }
0x82: {  	_ =	shalt  }
0x83: {  	_ =	shalt  }
0x84: {  	_ =	shalt  }
0x85: {  	_ =	shalt  }
0x86: {  	_ =	shalt  }
0x87: {  	_ =	shalt  }
.Lfunc_end0:
.L_simem_size_0:
called_computation_lowered:
.L_overlay_start_0:
0x88: {  	s2 =	sld [smem:$0x3FD9]  }
0x89: {  	s3 =	sld [smem:$0x3FFE];
	_ =	sdelay $0x1  }
0x8a: {  	s1 =	srdreg.scid  }
0x8b: {  	s0 =	sand.u32 $0x1, s1  }
0x8c: {  	s17 =	sshll.u32 s0, $0xA;
	s2 =	sadd.s32 s3, s2  }
0x8d: {  	s2 =	sadd.s32 s2, s17  }
0x8e: {  	[smem:$0x3FC3] =	sst s2  }
0x8f: {  	_ = 	snop  }
0x90: {  	s2 =	sld [smem:$0x3FD0];
	(tm) =	ssettm $0x1  }
0x91: {  	s18 =	sld [smem:$0x3FFB];
	_ =	sdelay $0x3  }
0x92: {  	_ =	strace s18  }
0x93: {  	s3 =	sld [smem:$0x3FFC];
	_ =	sdelay $0x3  }
0x94: {  	_ =	strace s3  }
0x95: {  	s3 =	sld [smem:$0x3FFD];
	_ =	sdelay $0x3  }
0x96: {  	_ =	strace s3  }
0x97: {  	_ =	strace $0x8FFFFFFF  }
0x98: {  	s19 =	sld [smem:$0x3FDB];
	_ =	sdelay $0x1  }
0x99: {  	s4 =	simm.s32 $_scs_section_size  }
0x9a: {  	s5 =	simm.s32 $_size__tile_overlayer_lowered;
	s6 =	simm.s32 $_tile_overlayer_lowered  }
0x9b: {  	s22 =	simm.s32 $0x1BFF;
	s21 =	sshll.u32 s6, $0x1;
	s3 =	sadd.s32 s4, s19  }
0x9c: {  	s7 =	simm.s32 $0x0;
	s20 =	sshll.u32 s5, $0x1;
	s5 =	sadd.s32 s21, s3  }
0x9d: {  	[timem:s7], [sflag:s22] =	dma.local [hbm:s5], s20  }
0x9e: {  	_ =	swait.ge [sflag:s22], s20  }
0x9f: {  	s4 =	ssub.s32 $0x0, s20;
	[sflag:s22] =	ssyncset.done $0x0  }
0xa0: {  	[sflag:s22] =	ssyncadd.s32 s4;
	_ =	sdelay $0x1  }
0xa1: {  	s23 =	simm.s32 $0x1B8B  }
0xa2: {  	_ =	swait.ge [sflag:s23], $0x1  }
0xa3: {  	[sflag:s23] =	ssyncset.done $0x0  }
0xa4: {  	s25 =	simm.s32 $0x1B8E;
	s24 =	sld [smem:$0x3FFE];
	[sflag:s23] =	ssyncadd.s32 $0xFFFFFFFF  }
0xa5: {  	s26 =	simm.s32 $execute0_lowered;
	[smem:$0x3FD2] =	sst s25  }
0xa6: {  	s5 =	sshll.u32 s26, $0x1;
	_ =	strace $0x80000046;
	[dreg:$0x1] =	wrdreg $0xFFFFFFFF  }
0xa7: {  	s28 =	simm.s32 $_size_execute0_lowered;
	s3 =	sadd.s32 s3, s5;
	[dreg:$0x0] =	wrdreg $0x0  }
0xa8: {  	s5 =	sshll.u32 s28, $0x1;
	[dreg:$0x2] =	wrdreg s3  }
0xa9: {  	[dreg:$0x3] =	wrdreg s5  }
0xaa: {  	[dreg:$0x4] =	wrdreg $0xC0  }
0xab: {  	_ =	task [dreg:s7], $0x5FFFF  }
0xac: {  	[dreg:$0x1] =	wrdreg $0xFFFFFFFF  }
0xad: {  	[dreg:$0x0] =	wrdreg $0x60  }
0xae: {  	[dreg:$0x2] =	wrdreg s24  }
0xaf: {  	[dreg:$0x3] =	wrdreg s2  }
0xb0: {  	[dreg:$0x4] =	wrdreg $0x2A800  }
0xb1: {  	[dreg:$0x5] =	wrdreg $0x9  }
0xb2: {  	_ =	task.clear_ibuf [dreg:s7], $0x6FFFF;
	_ =	strace $0x90000046  }
0xb3: {  	s29 =	simm.s32 $0x9;
	_ =	strace $0x80000048  }
0xb4: {  	_ =	swait.ge [sflag:s29], $0x1  }
0xb5: {  	[sflag:s29] =	ssyncadd.s32 $0xFFFFFFFF  }
0xb6: {  	_ =	strace $0x90000048  }
0xb7: {  	_ =	sfence  }
0xb8: {  	s30 =	sld [smem:$0x0];
	_ =	sdelay $0x2  }
0xb9: {  	s31 =	sshll.u32 s1, $0xD;
	s1 =	sshrl.u32 s1, $0x2  }
0xba: {  	s3 =	sand.u32 $0x4000, s31;
	s1 =	sadd.s32 s1, s30  }
0xbb: {  	s0 =	sor.u32 s3, s0;
	s1 =	sshll.u32 s1, $0x11  }
0xbc: {  	s0 =	sor.u32 s1, s0  }
0xbd: {  	s0 =	sadd.s32 $0x8F2B, s0  }
0xbe: {  	[sflag:s0] =	ssyncadd.remote.s32 $0x1  }
0xbf: {  	_ =	sfence.sel $0xFFFF  }
0xc0: {  	[dreg:$0x0] =	wrdreg $0xFFFFFFFF;
	(pc) =	sbr.abs _section_cstart, $3  }
0xc1: {  	[dreg:$0x1] =	wrdreg $0xFFFFFFFF  }
0xc2: {  	_ =	task.clear_ibuf [dreg:s7], $0x2FFFF;
	_ =	strace $0x9FFFFFFF  }
0xc3: {  	(tm) =	ssettm $0x7FFFFFFF  }
tec
execute0_lowered:
.L_overlay_start_1:
0x0: {  	(tag) =	ssettag $0x1  }
0x1: {  	s4 =	rddreg [dreg:$0x0]  }
0x2: {  	s6 =	rddreg [dreg:$0x1]  }
0x3: {  	s0 =	srdreg.scid;
	s2 =	rddreg [dreg:$0x2]  }
0x4: {  	s3 =	simm.s32 $0x0;
	s11 =	simm.s32 $0x2780;
	s12 =	simm.s32 $0x80  }
0x5: {  	s13 =	simm.s32 $0x100;
	s5 =	sand.u32 $0x1, s0;
	s0 =	stileid.u32  }
0x6: {  	s14 =	simm.s32 $0x0;
	[smem:$0x7FF] =	sst s3;
	s8 =	smul.u32 $0xA00, s0  }
0x7: {  	s1 =	sshll.u32 s5, $0x4;
	s9 =	ssub.s32 $0x2, s5;
	s10 =	smul.u32 $0x500, s0  }
0x8: {  	s5 =	sshll.u32 s5, $0x7;
	s7 =	sor.u32 s0, s1;
	s1 =	rddreg [dreg:$0x3]  }
0x9: {  	_ =	strace $0x80000047;
	s28 =	sshrl.u32 s9, $0x1;
	s7 =	smul.u32 $0x4E2, s7  }
0xa: {  	s9 =	ssub.s32 s9, s28;
	s29 =	sshrl.u32 s8, $0x2;
	s30 =	sor.u32 s5, s10  }
0xb: {  	s8 =	simm.s32 $0x2800;
	s10 =	simm.s32 $0x50;
	s31 =	sshrl.u32 s30, $0x3  }
0xc: {  	s7 =	sadd.s32 s7, s4;
	s4 =	sadd.s32 s29, s2;
	s6 =	sadd.s32 s6, s31  }
0xd: {  	v0 =	vimm.f32 $1.000000000e+00;
	v1 =	vimm.f32 $0.0e+00;
	s5 =	sadd.s32 $0x2600, s7;
	s7 =	smax.u32 s9, $0x1;
	s9 =	simm.s32 $0x1  }
.LBB2_1:
0xe: {  	[tilespmem:$0x2780] =	vst v0  }
0xf: {  	[tilespmem:$0x2790] =	vst v0  }
0x10: {  	[tilespmem:$0x27A0] =	vst v0  }
0x11: {  	[tilespmem:$0x27B0] =	vst v0  }
0x12: {  	[tilespmem:$0x27C0] =	vst v0  }
0x13: {  	[tilespmem:$0x27D0] =	vst v0  }
0x14: {  	[tilespmem:$0x27E0] =	vst v0  }
0x15: {  	[tilespmem:$0x27F0] =	vst v0  }
0x16: {  	[tilespmem:$0x2800] =	vst v1  }
0x17: {  	[tilespmem:$0x2810] =	vst v1  }
0x18: {  	[tilespmem:$0x2820] =	vst v1  }
0x19: {  	[tilespmem:$0x2830] =	vst v1  }
0x1a: {  	[tilespmem:$0x2840] =	vst v1  }
0x1b: {  	[tilespmem:$0x2850] =	vst v1  }
0x1c: {  	[tilespmem:$0x2860] =	vst v1  }
0x1d: {  	[tilespmem:$0x2870] =	vst v1  }
0x1e: {  	[tilespmem:$0x2880] =	vst v1  }
0x1f: {  	[tilespmem:$0x2890] =	vst v1  }
0x20: {  	[tilespmem:$0x28A0] =	vst v1  }
0x21: {  	[tilespmem:$0x28B0] =	vst v1  }
0x22: {  	[tilespmem:$0x28C0] =	vst v1  }
0x23: {  	[tilespmem:$0x28D0] =	vst v1  }
0x24: {  	[tilespmem:$0x28E0] =	vst v1  }
0x25: {  	[tilespmem:$0x28F0] =	vst v1  }
0x26: {  	[tilespmem:$0x2900] =	vst v1  }
0x27: {  	[tilespmem:$0x2910] =	vst v1  }
0x28: {  	[tilespmem:$0x2920] =	vst v1  }
0x29: {  	[tilespmem:$0x2930] =	vst v1  }
0x2a: {  	[tilespmem:$0x2940] =	vst v1  }
0x2b: {  	[tilespmem:$0x2950] =	vst v1  }
0x2c: {  	[tilespmem:$0x2960] =	vst v1  }
0x2d: {  	[tilespmem:$0x2970] =	vst v1  }
0x2e: {  	[tilespmem:$0x2980] =	vst v1  }
0x2f: {  	[tilespmem:$0x2990] =	vst v1  }
0x30: {  	[tilespmem:$0x29A0] =	vst v1  }
0x31: {  	[tilespmem:$0x29B0] =	vst v1  }
0x32: {  	[tilespmem:$0x29C0] =	vst v1  }
0x33: {  	[tilespmem:$0x29D0] =	vst v1  }
0x34: {  	[tilespmem:$0x29E0] =	vst v1  }
0x35: {  	[tilespmem:$0x29F0] =	vst v1  }
0x36: {  	[tilespmem:$0x2A00] =	vst v1  }
0x37: {  	[tilespmem:$0x2A10] =	vst v1  }
0x38: {  	[tilespmem:$0x2A20] =	vst v1  }
0x39: {  	[tilespmem:$0x2A30] =	vst v1  }
0x3a: {  	[tilespmem:$0x2A40] =	vst v1  }
0x3b: {  	[tilespmem:$0x2A50] =	vst v1  }
0x3c: {  	[tilespmem:$0x2A60] =	vst v1  }
0x3d: {  	[tilespmem:$0x2A70] =	vst v1  }
0x3e: {  	[spmem:s4] =	stream.linear.scatter [tilespmem:s8], [sflag:$0x1], $0x280, $0x38;
	[tilespmem:$0x2D00] =	vst v63  }
0x3f: {  	_ =	swait.ge [sflag:s9], $0x280  }
0x40: {  	[sflag:s9] =	ssyncset.done $0x0  }
0x41: {  	[sflag:s9] =	ssyncadd.s32 $0xFFFFFD80  }
0x42: {  	[bflag:$0x0] =	sbarrier.arrive $0xFFFF  }
0x43: {  	[tilespmem:s3], [sflag:$0x1] =	stream.linear.gather [hbm4b:s5+s3], $0x2710, $0x38;
	[tilespmem:$0x2D00] =	vst v63  }
0x44: {  	_ =	swait.ge [sflag:s9], $0x2710  }
0x45: {  	[sflag:s9] =	ssyncset.done $0x0  }
0x46: {  	s15 =	simm.s32 $0x0;
	[sflag:s9] =	ssyncadd.s32 $0xFFFFD8F0  }
0x47: {  	[spmem:s2] =	stream.indirect.scatter.add.f32 [tilespmem:s11], [sflag:$0x1], $0x1, s15, s10, $0xb8;
	[tilespmem:$0x2D00] =	vst v63  }
0x48: {  	_ =	swait.ge [sflag:s9], $0x50  }
0x49: {  	s15 =	simm.s32 $0x140;
	[sflag:s9] =	ssyncset.done $0x0  }
.LBB2_2:
0x4a: {  	s16 =	sshra.s32 s15, $0x2;
	[sflag:s9] =	ssyncadd.s32 $0xFFFFFFB0;
	p0 =	sne.s32 s15, $0x9B00  }
0x4b: {  	[spmem:s2] =	stream.indirect.scatter.add.f32 [tilespmem:s11], [sflag:$0x1], $0x1, s16, s10, $0xb8;
	[tilespmem:$0x2D00] =	vst v63  }
.Ltmp0:
0x4c: {  	_ = 	snop;
	(pc) =	sbr.rel @p0 .LBB2_2-.Ltmp0, $4  }
0x4d: {  	_ = 	snop  }
0x4e: {  	s15 =	sadd.s32 $0x140, s15  }
0x4f: {  	_ =	swait.ge [sflag:s9], $0x50  }
0x50: {  	[sflag:s9] =	ssyncset.done $0x0  }
0x51: {  	[sflag:s9] =	ssyncadd.s32 $0xFFFFFFB0  }
0x52: {  	[bflag:$0x0] =	sbarrier.arrive $0xFFFF  }
0x53: {  	[tilespmem:s8], [sflag:$0x1] =	stream.linear.gather [spmem:s4], $0x280, $0x38;
	[tilespmem:$0x2D00] =	vst v63  }
0x54: {  	s14 =	sadd.s32 $0x1, s14;
	_ =	swait.ge [sflag:s9], $0x280  }
0x55: {  	p0 =	sne.s32 s14, s7;
	[sflag:s9] =	ssyncset.done $0x0  }
.Ltmp1:
0x56: {  	[sflag:s9] =	ssyncadd.s32 $0xFFFFFD80;
	(pc) =	sbr.rel @p0 .LBB2_1-.Ltmp1, $4  }
0x57: {  	[hbm4b:s6+s12] =	stream.strided.scatter [tilespmem:s8], [sflag:$0x1], $0x280, s13, s12, $0x38;
	[tilespmem:$0x2D00] =	vst v63  }
0x58: {  	_ =	swait.ge [sflag:s9], $0x280  }
0x59: {  	[sflag:s9] =	ssyncset.done $0x0  }
0x5a: {  	[sflag:s9] =	ssyncadd.s32 $0xFFFFFD80  }
0x5b: {  	_ =	sfence.sel $0x180000  }
0x5c: {  	[bflag:$0x0] =	sbarrier.arrive $0xFFFF  }
0x5d: {  	p0 =	sne.s32 s0, $0x0;
	_ =	strace $0x90000047  }
0x5e: {  	s0 =	sadd.s32 @!p0 $0x100000, s1;
	[bflag:$0x2] =	sbarrier.arrive $0xFFFF  }
0x5f: {  	[sflag:s0] =	ssyncadd.tile.s32 @!p0 $0x1;
	_ =	shalt  }
.Lfunc_end2:
_tile_overlayer_lowered:
.L_overlay_start_2:
0x60: {  	(tag) =	ssettag $0x2  }
0x61: {  	s0 =	rddreg [dreg:$0x0];
	s2 =	stileid.u32  }
0x62: {  	s1 =	rddreg [dreg:$0x1];
	p0 =	sne.s32 s2, $0x0  }
0x63: {  	s3 =	rddreg [dreg:$0x2];
	[bflag:$0x3] =	sbarrier.arrive $0xFFFF;
	s2 =	simm.s32 @!p0 $0x1C01  }
0x64: {  	[timem:s3], [sflag:s2] =	dma.local @!p0 [hbm:s0], s1  }
0x65: {  	s0 =	simm.s32 @!p0 $0x1  }
0x66: {  	_ =	swait.ge @!p0 [sflag:s0], s1  }
0x67: {  	s1 =	ssub.s32 @!p0 $0x0, s1;
	[sflag:s0] =	ssyncset.done @!p0 $0x0  }
0x68: {  	[sflag:s0] =	ssyncadd.s32 @!p0 s1  }
0x69: {  	[bflag:$0x3] =	sbarrier.arrive $0xFFFF  }
0x6a: {  	_ =	shalt  }

</sc_bundles>
